<compile_context>
chip_gen: v7x
topology: tpu7x:2x2x1
jax: 0.10.2.dev20260603
libtpu: 0.0.44.dev20260713+nightly
codegen_flags: <defaults>
</compile_context>

<pallas_src>
import functools

import jax
import jax.numpy as jnp
from jax import lax
from jax.experimental import pallas as pl
from jax.experimental.pallas import tpu as pltpu
from jax.experimental.pallas import tpu_sc as plsc

_D = 64
_LANES = 16


def _sc_bow_body(idx_hbm, emb3_hbm, freq_hbm, out_hbm,
                 idx_v, tiles_v, f_v, acc_v, sem, *, n_chunks):
    cid = lax.axis_index("c")
    sid = lax.axis_index("s")
    wid = sid * 2 + cid

    @pl.when(wid < n_chunks)
    def _():
        off = pl.multiple_of(wid * _LANES, 8)
        pltpu.sync_copy(idx_hbm.at[pl.ds(off, _LANES)], idx_v)
        frq_cp = pltpu.async_copy(freq_hbm.at[idx_v], f_v, sem)
        ivec = idx_v[...]
        tvec = jax.lax.shift_right_logical(ivec, 3)
        rvec = jax.lax.bitwise_and(ivec, 7)
        cps = []
        for j in range(_LANES):
            cps.append(pltpu.async_copy(
                emb3_hbm.at[tvec[j]], tiles_v.at[j], sem))
        frq_cp.wait()
        for cp in cps:
            cp.wait()

        wvec = 1.0 / f_v[...]
        accs = tuple(jnp.zeros((_LANES,), jnp.float32)
                     for _ in range(_D // _LANES))
        for j in range(_LANES):
            w = wvec[j]
            r = rvec[j]
            accs = tuple(
                accs[c] + w * tiles_v[j, r, pl.ds(c * _LANES, _LANES)]
                for c in range(_D // _LANES)
            )
        for c in range(_D // _LANES):
            acc_v[pl.ds(c * _LANES, _LANES)] = accs[c]
        out_off = pl.multiple_of(wid * _D, 8)
        pltpu.sync_copy(acc_v, out_hbm.at[pl.ds(out_off, _D)])


def _make_sc_bow(n_chunks):
    return functools.partial(
        pl.kernel,
        out_type=jax.ShapeDtypeStruct((n_chunks * _D,), jnp.float32),
        mesh=plsc.VectorSubcoreMesh(core_axis_name="c", subcore_axis_name="s"),
        scratch_types=[
            pltpu.VMEM((_LANES,), jnp.int32),
            pltpu.VMEM((_LANES, 8, _D), jnp.float32),
            pltpu.VMEM((_LANES,), jnp.float32),
            pltpu.VMEM((_D,), jnp.float32),
            pltpu.SemaphoreType.DMA,
        ],
        compiler_params=pltpu.CompilerParams(use_tc_tiling_on_sc=True),
    )(functools.partial(_sc_bow_body, n_chunks=n_chunks))


def _tc_head_body(parts_ref, w_ref, b_ref, out_ref, *, scale):
    bow = jnp.sum(parts_ref[...], axis=0, keepdims=True) * scale
    logits = lax.dot_general(
        bow, w_ref[...], (((1,), (1,)), ((), ())),
        preferred_element_type=jnp.float32) + b_ref[...]
    m = jnp.max(logits, axis=-1, keepdims=True)
    s = logits - m
    lse = jnp.log(jnp.sum(jnp.exp(s), axis=-1, keepdims=True))
    out_ref[...] = s - lse


def kernel(input, emb_tensor, freq, W, b):
    L = input.shape[1]
    V = emb_tensor.shape[0]
    l_pad = ((L + _LANES - 1) // _LANES) * _LANES
    idx = jnp.concatenate(
        [input[0], jnp.zeros((l_pad - L,), jnp.int32)])
    emb3 = emb_tensor.reshape(V // 8, 8, _D)
    n_chunks = l_pad // _LANES
    parts = _make_sc_bow(n_chunks)(idx, emb3, freq)

    scale = 1.0 / (float(L) * 100000.0)
    out = pl.pallas_call(
        functools.partial(_tc_head_body, scale=scale),
        out_shape=jax.ShapeDtypeStruct((1, 2), jnp.float32),
    )(parts.reshape(n_chunks, _D), W, b.reshape(1, 2))
    return out

# --- scband reference (transcript-rebuilt; emitter-appended) ---
"""Pipeline reference for scband-bow-model-66279935312642 (READ-ONLY COPY).

The authoritative reference and input builder live on the scoring server;
editing this copy changes nothing except your own understanding.
"""

import jax, jax.numpy as jnp
import numpy as np


def setup_inputs(seed: int = 0) -> dict:
    key = jax.random.key(seed)
    ks = jax.random.split(key, 5)
    V, D, B, L = 1000000, 64, 4096, 200
    inp = jax.random.randint(ks[0], (B, L), 0, V, dtype=jnp.int32)
    emb_tensor = jax.random.normal(ks[1], (V, D), dtype=jnp.float32)
    emb_tensor = emb_tensor.at[0].set(0.0)  # padding_idx=0 row is zeros
    # frequencies must be strictly positive (they are divided by)
    freq = jax.random.uniform(ks[2], (V,), dtype=jnp.float32, minval=0.1, maxval=1.0)
    W = jax.random.normal(ks[3], (2, D), dtype=jnp.float32) * 0.1
    b = jnp.zeros((2,), dtype=jnp.float32)
    return {"input": inp, "emb_tensor": emb_tensor, "freq": freq, "W": W, "b": b}


def reference(input, emb_tensor, freq, W, b):
    # embedded = self.embedding(input)  -> gather rows of the table
    embedded = jnp.take(emb_tensor, input, axis=0)            # [B, L, D]
    # weights = 1.0 / freq[input[0, :]]
    weights = 1.0 / jnp.take(freq, input[0, :], axis=0)       # [L]
    # bow = mm(weights.unsqueeze(0), embedded[0]) / L  (squeeze(1) is a no-op since D != 1)
    bow = jnp.matmul(weights[None, :], embedded[0, :, :]) / input.shape[1]  # [1, D]
    bow = bow / 100000.0
    # self.out(bow) then log_softmax over last dim
    logits = bow @ W.T + b                                     # [1, 2]
    return jax.nn.log_softmax(logits, axis=-1)

if __name__ == "__main__":
    import jax
    _d = setup_inputs()
    print(jax.jit(kernel)(*tuple(_d.values())))

</pallas_src>

<mosaic_0001>
#map = affine_map<(d0, d1) -> (0)>
#map1 = affine_map<(d0, d1) -> (0, 0, 0)>
module attributes {stable_mosaic.version = 14 : i64} {
  func.func @_sc_bow_body(%arg0: i32, %arg1: i32, %arg2: memref<208xi32, #tpu.memory_space<hbm>>, %arg3: memref<125000x8x64xf32, #tpu.memory_space<hbm>>, %arg4: memref<1000000xf32, #tpu.memory_space<hbm>>, %arg5: memref<832xf32, #tpu.memory_space<hbm>>, %arg6: memref<16xi32, #tpu.memory_space<vmem>>, %arg7: memref<16x8x64xf32, #tpu.memory_space<vmem>>, %arg8: memref<16xf32, #tpu.memory_space<vmem>>, %arg9: memref<64xf32, #tpu.memory_space<vmem>>, %arg10: memref<!tpu.dma_semaphore, #tpu.memory_space<semaphore_mem>>) attributes {dimension_semantics = [#tpu.dimension_semantics<core_parallel>, #tpu.dimension_semantics<subcore_parallel>], iteration_bounds = array<i64: 2, 16>, scalar_prefetch = 0 : i64, scratch_operands = 5 : i64, tpu.core_type = #tpu.core_type<sc_vector_subcore>, window_params = [{transform_indices = #map}, {transform_indices = #map1}, {transform_indices = #map}, {transform_indices = #map}]} {
    %mul3A = arith.constant 2 : i32
    %mul3A_0 = arith.muli %arg1, %mul3A : i32
    %add3A = arith.addi %mul3A_0, %arg0 : i32
    %lt3A = arith.constant 13 : i32
    %lt3A_1 = arith.cmpi slt, %add3A, %lt3A : i32
    %convert_element_type3A = arith.extui %lt3A_1 : i1 to i32
    %cond3A = arith.constant 0 : i32
    %cond3A_2 = arith.cmpi ne, %convert_element_type3A, %cond3A : i32
    scf.if %cond3A_2 {
      %mul3A_3 = arith.constant 16 : i32
      %mul3A_4 = arith.muli %add3A, %mul3A_3 : i32
      %multiple_of3A = tpu.assume_multiple %mul3A_4, 8 : i32
      "tpu.region"() ({
        %run_scoped3A = tpu.sem_alloc : memref<!tpu.dma_semaphore, #tpu.memory_space<semaphore_mem>>
        %dma_start3A_1257 = tpu.memref_slice %arg2[%multiple_of3A] : memref<208xi32, #tpu.memory_space<hbm>> -> memref<16xi32, #tpu.memory_space<hbm>>
        %dma_start3A_1258 = tpu.memref_slice %arg2[%multiple_of3A] : memref<208xi32, #tpu.memory_space<hbm>> -> memref<16xi32, #tpu.memory_space<hbm>>
        tpu.enqueue_dma source(%dma_start3A_1258 : memref<16xi32, #tpu.memory_space<hbm>>) target(%arg6 : memref<16xi32, #tpu.memory_space<vmem>>) target_semaphore(%run_scoped3A : memref<!tpu.dma_semaphore, #tpu.memory_space<semaphore_mem>>)
        %dma_wait3A_1259 = tpu.memref_slice %arg2[%multiple_of3A] : memref<208xi32, #tpu.memory_space<hbm>> -> memref<16xi32, #tpu.memory_space<hbm>>
        %dma_wait3A_1260 = tpu.memref_slice %arg2[%multiple_of3A] : memref<208xi32, #tpu.memory_space<hbm>> -> memref<16xi32, #tpu.memory_space<hbm>>
        tpu.wait_dma2 semaphore(%run_scoped3A : memref<!tpu.dma_semaphore, #tpu.memory_space<semaphore_mem>>) src(%dma_wait3A_1260 : memref<16xi32, #tpu.memory_space<hbm>>) dst(%arg6 : memref<16xi32, #tpu.memory_space<vmem>>)
        tpu.yield
      }) : () -> ()
      %dma_start3A = arith.constant 0 : i32
      %dma_start3A_5 = tpu.memref_slice %arg4[%dma_start3A] : memref<1000000xf32, #tpu.memory_space<hbm>> -> memref<1000000xf32, #tpu.memory_space<hbm>>
      tpu.enqueue_indirect_dma source(%dma_start3A_5 : memref<1000000xf32, #tpu.memory_space<hbm>>) target(%arg8 : memref<16xf32, #tpu.memory_space<vmem>>) offsets(%arg6 : memref<16xi32, #tpu.memory_space<vmem>>) semaphore(%arg10 : memref<!tpu.dma_semaphore, #tpu.memory_space<semaphore_mem>>)
      %get3A = arith.constant 0 : index
      %get3A_6 = tpu.vector_load %arg6[%get3A] {strides = array<i32>} : memref<16xi32, #tpu.memory_space<vmem>>, vector<16xi32>,
      %get3A_7 = vector.shape_cast %get3A_6 : vector<16xi32> to vector<16xi32>
      %shift_right_logical3A = arith.constant 3 : i32
      %shift_right_logical3A_8 = vector.broadcast %shift_right_logical3A : i32 to vector<16xi32>
      %shift_right_logical3A_9 = arith.shrui %get3A_7, %shift_right_logical3A_8 : vector<16xi32>
      %and3A = arith.constant 7 : i32
      %and3A_10 = vector.broadcast %and3A : i32 to vector<16xi32>
      %and3A_11 = arith.andi %get3A_7, %and3A_10 : vector<16xi32>
      %slice3A = vector.extract_strided_slice %shift_right_logical3A_9 {offsets = [0], sizes = [1], strides = [1]} : vector<16xi32> to vector<1xi32>
      %squeeze3A = vector.extract %slice3A[0] : i32 from vector<1xi32>
      %dma_start3A_12 = arith.constant 0 : i32
      %dma_start3A_13 = arith.constant 0 : i32
      %dma_start3A_14 = arith.constant 0 : i32
      %dma_start3A_15 = tpu.memref_slice %arg7[%dma_start3A_12, %dma_start3A_13, %dma_start3A_14] : memref<16x8x64xf32, #tpu.memory_space<vmem>> -> memref<1x8x64xf32, #tpu.memory_space<vmem>>
      %dma_start3A_16 = tpu.memref_squeeze %dma_start3A_15 : memref<1x8x64xf32, #tpu.memory_space<vmem>> -> memref<8x64xf32, #tpu.memory_space<vmem>>
      %dma_start3A_17 = arith.constant 0 : i32
      %dma_start3A_18 = arith.constant 0 : i32
      %dma_start3A_19 = tpu.memref_slice %arg3[%squeeze3A, %dma_start3A_17, %dma_start3A_18] : memref<125000x8x64xf32, #tpu.memory_space<hbm>> -> memref<1x8x64xf32, #tpu.memory_space<hbm>>
      %dma_start3A_20 = tpu.memref_squeeze %dma_start3A_19 : memref<1x8x64xf32, #tpu.memory_space<hbm>> -> memref<8x64xf32, #tpu.memory_space<hbm>>
      %dma_start3A_21 = arith.constant 0 : i32
      %dma_start3A_22 = arith.constant 0 : i32
      %dma_start3A_23 = tpu.memref_slice %arg7[%dma_start3A_12, %dma_start3A_21, %dma_start3A_22] : memref<16x8x64xf32, #tpu.memory_space<vmem>> -> memref<1x8x64xf32, #tpu.memory_space<vmem>>
      %dma_start3A_24 = tpu.memref_squeeze %dma_start3A_23 : memref<1x8x64xf32, #tpu.memory_space<vmem>> -> memref<8x64xf32, #tpu.memory_space<vmem>>
      %dma_start3A_25 = arith.constant 0 : i32
      %dma_start3A_26 = arith.constant 0 : i32
      %dma_start3A_27 = tpu.memref_slice %arg3[%squeeze3A, %dma_start3A_25, %dma_start3A_26] : memref<125000x8x64xf32, #tpu.memory_space<hbm>> -> memref<1x8x64xf32, #tpu.memory_space<hbm>>
      %dma_start3A_28 = tpu.memref_squeeze %dma_start3A_27 : memref<1x8x64xf32, #tpu.memory_space<hbm>> -> memref<8x64xf32, #tpu.memory_space<hbm>>
      tpu.enqueue_dma source(%dma_start3A_28 : memref<8x64xf32, #tpu.memory_space<hbm>>) target(%dma_start3A_24 : memref<8x64xf32, #tpu.memory_space<vmem>>) target_semaphore(%arg10 : memref<!tpu.dma_semaphore, #tpu.memory_space<semaphore_mem>>)
      %slice3A_29 = vector.extract_strided_slice %shift_right_logical3A_9 {offsets = [1], sizes = [1], strides = [1]} : vector<16xi32> to vector<1xi32>
      %squeeze3A_30 = vector.extract %slice3A_29[0] : i32 from vector<1xi32>
      %dma_start3A_31 = arith.constant 1 : i32
      %dma_start3A_32 = arith.constant 0 : i32
      %dma_start3A_33 = arith.constant 0 : i32
      %dma_start3A_34 = tpu.memref_slice %arg7[%dma_start3A_31, %dma_start3A_32, %dma_start3A_33] : memref<16x8x64xf32, #tpu.memory_space<vmem>> -> memref<1x8x64xf32, #tpu.memory_space<vmem>>
      %dma_start3A_35 = tpu.memref_squeeze %dma_start3A_34 : memref<1x8x64xf32, #tpu.memory_space<vmem>> -> memref<8x64xf32, #tpu.memory_space<vmem>>
      %dma_start3A_36 = arith.constant 0 : i32
      %dma_start3A_37 = arith.constant 0 : i32
      %dma_start3A_38 = tpu.memref_slice %arg3[%squeeze3A_30, %dma_start3A_36, %dma_start3A_37] : memref<125000x8x64xf32, #tpu.memory_space<hbm>> -> memref<1x8x64xf32, #tpu.memory_space<hbm>>
      %dma_start3A_39 = tpu.memref_squeeze %dma_start3A_38 : memref<1x8x64xf32, #tpu.memory_space<hbm>> -> memref<8x64xf32, #tpu.memory_space<hbm>>
      %dma_start3A_40 = arith.constant 0 : i32
      %dma_start3A_41 = arith.constant 0 : i32
      %dma_start3A_42 = tpu.memref_slice %arg7[%dma_start3A_31, %dma_start3A_40, %dma_start3A_41] : memref<16x8x64xf32, #tpu.memory_space<vmem>> -> memref<1x8x64xf32, #tpu.memory_space<vmem>>
      %dma_start3A_43 = tpu.memref_squeeze %dma_start3A_42 : memref<1x8x64xf32, #tpu.memory_space<vmem>> -> memref<8x64xf32, #tpu.memory_space<vmem>>
      %dma_start3A_44 = arith.constant 0 : i32
      %dma_start3A_45 = arith.constant 0 : i32
      %dma_start3A_46 = tpu.memref_slice %arg3[%squeeze3A_30, %dma_start3A_44, %dma_start3A_45] : memref<125000x8x64xf32, #tpu.memory_space<hbm>> -> memref<1x8x64xf32, #tpu.memory_space<hbm>>
      %dma_start3A_47 = tpu.memref_squeeze %dma_start3A_46 : memref<1x8x64xf32, #tpu.memory_space<hbm>> -> memref<8x64xf32, #tpu.memory_space<hbm>>
      tpu.enqueue_dma source(%dma_start3A_47 : memref<8x64xf32, #tpu.memory_space<hbm>>) target(%dma_start3A_43 : memref<8x64xf32, #tpu.memory_space<vmem>>) target_semaphore(%arg10 : memref<!tpu.dma_semaphore, #tpu.memory_space<semaphore_mem>>)
      %slice3A_48 = vector.extract_strided_slice %shift_right_logical3A_9 {offsets = [2], sizes = [1], strides = [1]} : vector<16xi32> to vector<1xi32>
      %squeeze3A_49 = vector.extract %slice3A_48[0] : i32 from vector<1xi32>
      %dma_start3A_50 = arith.constant 2 : i32
      %dma_start3A_51 = arith.constant 0 : i32
      %dma_start3A_52 = arith.constant 0 : i32
      %dma_start3A_53 = tpu.memref_slice %arg7[%dma_start3A_50, %dma_start3A_51, %dma_start3A_52] : memref<16x8x64xf32, #tpu.memory_space<vmem>> -> memref<1x8x64xf32, #tpu.memory_space<vmem>>
      %dma_start3A_54 = tpu.memref_squeeze %dma_start3A_53 : memref<1x8x64xf32, #tpu.memory_space<vmem>> -> memref<8x64xf32, #tpu.memory_space<vmem>>
      %dma_start3A_55 = arith.constant 0 : i32
      %dma_start3A_56 = arith.constant 0 : i32
      %dma_start3A_57 = tpu.memref_slice %arg3[%squeeze3A_49, %dma_start3A_55, %dma_start3A_56] : memref<125000x8x64xf32, #tpu.memory_space<hbm>> -> memref<1x8x64xf32, #tpu.memory_space<hbm>>
      %dma_start3A_58 = tpu.memref_squeeze %dma_start3A_57 : memref<1x8x64xf32, #tpu.memory_space<hbm>> -> memref<8x64xf32, #tpu.memory_space<hbm>>
      %dma_start3A_59 = arith.constant 0 : i32
      %dma_start3A_60 = arith.constant 0 : i32
      %dma_start3A_61 = tpu.memref_slice %arg7[%dma_start3A_50, %dma_start3A_59, %dma_start3A_60] : memref<16x8x64xf32, #tpu.memory_space<vmem>> -> memref<1x8x64xf32, #tpu.memory_space<vmem>>
      %dma_start3A_62 = tpu.memref_squeeze %dma_start3A_61 : memref<1x8x64xf32, #tpu.memory_space<vmem>> -> memref<8x64xf32, #tpu.memory_space<vmem>>
      %dma_start3A_63 = arith.constant 0 : i32
      %dma_start3A_64 = arith.constant 0 : i32
      %dma_start3A_65 = tpu.memref_slice %arg3[%squeeze3A_49, %dma_start3A_63, %dma_start3A_64] : memref<125000x8x64xf32, #tpu.memory_space<hbm>> -> memref<1x8x64xf32, #tpu.memory_space<hbm>>
      %dma_start3A_66 = tpu.memref_squeeze %dma_start3A_65 : memref<1x8x64xf32, #tpu.memory_space<hbm>> -> memref<8x64xf32, #tpu.memory_space<hbm>>
      tpu.enqueue_dma source(%dma_start3A_66 : memref<8x64xf32, #tpu.memory_space<hbm>>) target(%dma_start3A_62 : memref<8x64xf32, #tpu.memory_space<vmem>>) target_semaphore(%arg10 : memref<!tpu.dma_semaphore, #tpu.memory_space<semaphore_mem>>)
      %slice3A_67 = vector.extract_strided_slice %shift_right_logical3A_9 {offsets = [3], sizes = [1], strides = [1]} : vector<16xi32> to vector<1xi32>
      %squeeze3A_68 = vector.extract %slice3A_67[0] : i32 from vector<1xi32>
      %dma_start3A_69 = arith.constant 3 : i32
      %dma_start3A_70 = arith.constant 0 : i32
      %dma_start3A_71 = arith.constant 0 : i32
      %dma_start3A_72 = tpu.memref_slice %arg7[%dma_start3A_69, %dma_start3A_70, %dma_start3A_71] : memref<16x8x64xf32, #tpu.memory_space<vmem>> -> memref<1x8x64xf32, #tpu.memory_space<vmem>>
      %dma_start3A_73 = tpu.memref_squeeze %dma_start3A_72 : memref<1x8x64xf32, #tpu.memory_space<vmem>> -> memref<8x64xf32, #tpu.memory_space<vmem>>
      %dma_start3A_74 = arith.constant 0 : i32
      %dma_start3A_75 = arith.constant 0 : i32
      %dma_start3A_76 = tpu.memref_slice %arg3[%squeeze3A_68, %dma_start3A_74, %dma_start3A_75] : memref<125000x8x64xf32, #tpu.memory_space<hbm>> -> memref<1x8x64xf32, #tpu.memory_space<hbm>>
      %dma_start3A_77 = tpu.memref_squeeze %dma_start3A_76 : memref<1x8x64xf32, #tpu.memory_space<hbm>> -> memref<8x64xf32, #tpu.memory_space<hbm>>
      %dma_start3A_78 = arith.constant 0 : i32
      %dma_start3A_79 = arith.constant 0 : i32
      %dma_start3A_80 = tpu.memref_slice %arg7[%dma_start3A_69, %dma_start3A_78, %dma_start3A_79] : memref<16x8x64xf32, #tpu.memory_space<vmem>> -> memref<1x8x64xf32, #tpu.memory_space<vmem>>
      %dma_start3A_81 = tpu.memref_squeeze %dma_start3A_80 : memref<1x8x64xf32, #tpu.memory_space<vmem>> -> memref<8x64xf32, #tpu.memory_space<vmem>>
      %dma_start3A_82 = arith.constant 0 : i32
      %dma_start3A_83 = arith.constant 0 : i32
      %dma_start3A_84 = tpu.memref_slice %arg3[%squeeze3A_68, %dma_start3A_82, %dma_start3A_83] : memref<125000x8x64xf32, #tpu.memory_space<hbm>> -> memref<1x8x64xf32, #tpu.memory_space<hbm>>
      %dma_start3A_85 = tpu.memref_squeeze %dma_start3A_84 : memref<1x8x64xf32, #tpu.memory_space<hbm>> -> memref<8x64xf32, #tpu.memory_space<hbm>>
      tpu.enqueue_dma source(%dma_start3A_85 : memref<8x64xf32, #tpu.memory_space<hbm>>) target(%dma_start3A_81 : memref<8x64xf32, #tpu.memory_space<vmem>>) target_semaphore(%arg10 : memref<!tpu.dma_semaphore, #tpu.memory_space<semaphore_mem>>)
      %slice3A_86 = vector.extract_strided_slice %shift_right_logical3A_9 {offsets = [4], sizes = [1], strides = [1]} : vector<16xi32> to vector<1xi32>
      %squeeze3A_87 = vector.extract %slice3A_86[0] : i32 from vector<1xi32>
      %dma_start3A_88 = arith.constant 4 : i32
      %dma_start3A_89 = arith.constant 0 : i32
      %dma_start3A_90 = arith.constant 0 : i32
      %dma_start3A_91 = tpu.memref_slice %arg7[%dma_start3A_88, %dma_start3A_89, %dma_start3A_90] : memref<16x8x64xf32, #tpu.memory_space<vmem>> -> memref<1x8x64xf32, #tpu.memory_space<vmem>>
      %dma_start3A_92 = tpu.memref_squeeze %dma_start3A_91 : memref<1x8x64xf32, #tpu.memory_space<vmem>> -> memref<8x64xf32, #tpu.memory_space<vmem>>
      %dma_start3A_93 = arith.constant 0 : i32
      %dma_start3A_94 = arith.constant 0 : i32
      %dma_start3A_95 = tpu.memref_slice %arg3[%squeeze3A_87, %dma_start3A_93, %dma_start3A_94] : memref<125000x8x64xf32, #tpu.memory_space<hbm>> -> memref<1x8x64xf32, #tpu.memory_space<hbm>>
      %dma_start3A_96 = tpu.memref_squeeze %dma_start3A_95 : memref<1x8x64xf32, #tpu.memory_space<hbm>> -> memref<8x64xf32, #tpu.memory_space<hbm>>
      %dma_start3A_97 = arith.constant 0 : i32
      %dma_start3A_98 = arith.constant 0 : i32
      %dma_start3A_99 = tpu.memref_slice %arg7[%dma_start3A_88, %dma_start3A_97, %dma_start3A_98] : memref<16x8x64xf32, #tpu.memory_space<vmem>> -> memref<1x8x64xf32, #tpu.memory_space<vmem>>
      %dma_start3A_100 = tpu.memref_squeeze %dma_start3A_99 : memref<1x8x64xf32, #tpu.memory_space<vmem>> -> memref<8x64xf32, #tpu.memory_space<vmem>>
      %dma_start3A_101 = arith.constant 0 : i32
      %dma_start3A_102 = arith.constant 0 : i32
      %dma_start3A_103 = tpu.memref_slice %arg3[%squeeze3A_87, %dma_start3A_101, %dma_start3A_102] : memref<125000x8x64xf32, #tpu.memory_space<hbm>> -> memref<1x8x64xf32, #tpu.memory_space<hbm>>
      %dma_start3A_104 = tpu.memref_squeeze %dma_start3A_103 : memref<1x8x64xf32, #tpu.memory_space<hbm>> -> memref<8x64xf32, #tpu.memory_space<hbm>>
      tpu.enqueue_dma source(%dma_start3A_104 : memref<8x64xf32, #tpu.memory_space<hbm>>) target(%dma_start3A_100 : memref<8x64xf32, #tpu.memory_space<vmem>>) target_semaphore(%arg10 : memref<!tpu.dma_semaphore, #tpu.memory_space<semaphore_mem>>)
      %slice3A_105 = vector.extract_strided_slice %shift_right_logical3A_9 {offsets = [5], sizes = [1], strides = [1]} : vector<16xi32> to vector<1xi32>
      %squeeze3A_106 = vector.extract %slice3A_105[0] : i32 from vector<1xi32>
      %dma_start3A_107 = arith.constant 5 : i32
      %dma_start3A_108 = arith.constant 0 : i32
      %dma_start3A_109 = arith.constant 0 : i32
      %dma_start3A_110 = tpu.memref_slice %arg7[%dma_start3A_107, %dma_start3A_108, %dma_start3A_109] : memref<16x8x64xf32, #tpu.memory_space<vmem>> -> memref<1x8x64xf32, #tpu.memory_space<vmem>>
      %dma_start3A_111 = tpu.memref_squeeze %dma_start3A_110 : memref<1x8x64xf32, #tpu.memory_space<vmem>> -> memref<8x64xf32, #tpu.memory_space<vmem>>
      %dma_start3A_112 = arith.constant 0 : i32
      %dma_start3A_113 = arith.constant 0 : i32
      %dma_start3A_114 = tpu.memref_slice %arg3[%squeeze3A_106, %dma_start3A_112, %dma_start3A_113] : memref<125000x8x64xf32, #tpu.memory_space<hbm>> -> memref<1x8x64xf32, #tpu.memory_space<hbm>>
      %dma_start3A_115 = tpu.memref_squeeze %dma_start3A_114 : memref<1x8x64xf32, #tpu.memory_space<hbm>> -> memref<8x64xf32, #tpu.memory_space<hbm>>
      %dma_start3A_116 = arith.constant 0 : i32
      %dma_start3A_117 = arith.constant 0 : i32
      %dma_start3A_118 = tpu.memref_slice %arg7[%dma_start3A_107, %dma_start3A_116, %dma_start3A_117] : memref<16x8x64xf32, #tpu.memory_space<vmem>> -> memref<1x8x64xf32, #tpu.memory_space<vmem>>
      %dma_start3A_119 = tpu.memref_squeeze %dma_start3A_118 : memref<1x8x64xf32, #tpu.memory_space<vmem>> -> memref<8x64xf32, #tpu.memory_space<vmem>>
      %dma_start3A_120 = arith.constant 0 : i32
      %dma_start3A_121 = arith.constant 0 : i32
      %dma_start3A_122 = tpu.memref_slice %arg3[%squeeze3A_106, %dma_start3A_120, %dma_start3A_121] : memref<125000x8x64xf32, #tpu.memory_space<hbm>> -> memref<1x8x64xf32, #tpu.memory_space<hbm>>
      %dma_start3A_123 = tpu.memref_squeeze %dma_start3A_122 : memref<1x8x64xf32, #tpu.memory_space<hbm>> -> memref<8x64xf32, #tpu.memory_space<hbm>>
      tpu.enqueue_dma source(%dma_start3A_123 : memref<8x64xf32, #tpu.memory_space<hbm>>) target(%dma_start3A_119 : memref<8x64xf32, #tpu.memory_space<vmem>>) target_semaphore(%arg10 : memref<!tpu.dma_semaphore, #tpu.memory_space<semaphore_mem>>)
      %slice3A_124 = vector.extract_strided_slice %shift_right_logical3A_9 {offsets = [6], sizes = [1], strides = [1]} : vector<16xi32> to vector<1xi32>
      %squeeze3A_125 = vector.extract %slice3A_124[0] : i32 from vector<1xi32>
      %dma_start3A_126 = arith.constant 6 : i32
      %dma_start3A_127 = arith.constant 0 : i32
      %dma_start3A_128 = arith.constant 0 : i32
      %dma_start3A_129 = tpu.memref_slice %arg7[%dma_start3A_126, %dma_start3A_127, %dma_start3A_128] : memref<16x8x64xf32, #tpu.memory_space<vmem>> -> memref<1x8x64xf32, #tpu.memory_space<vmem>>
      %dma_start3A_130 = tpu.memref_squeeze %dma_start3A_129 : memref<1x8x64xf32, #tpu.memory_space<vmem>> -> memref<8x64xf32, #tpu.memory_space<vmem>>
      %dma_start3A_131 = arith.constant 0 : i32
      %dma_start3A_132 = arith.constant 0 : i32
      %dma_start3A_133 = tpu.memref_slice %arg3[%squeeze3A_125, %dma_start3A_131, %dma_start3A_132] : memref<125000x8x64xf32, #tpu.memory_space<hbm>> -> memref<1x8x64xf32, #tpu.memory_space<hbm>>
      %dma_start3A_134 = tpu.memref_squeeze %dma_start3A_133 : memref<1x8x64xf32, #tpu.memory_space<hbm>> -> memref<8x64xf32, #tpu.memory_space<hbm>>
      %dma_start3A_135 = arith.constant 0 : i32
      %dma_start3A_136 = arith.constant 0 : i32
      %dma_start3A_137 = tpu.memref_slice %arg7[%dma_start3A_126, %dma_start3A_135, %dma_start3A_136] : memref<16x8x64xf32, #tpu.memory_space<vmem>> -> memref<1x8x64xf32, #tpu.memory_space<vmem>>
      %dma_start3A_138 = tpu.memref_squeeze %dma_start3A_137 : memref<1x8x64xf32, #tpu.memory_space<vmem>> -> memref<8x64xf32, #tpu.memory_space<vmem>>
      %dma_start3A_139 = arith.constant 0 : i32
      %dma_start3A_140 = arith.constant 0 : i32
      %dma_start3A_141 = tpu.memref_slice %arg3[%squeeze3A_125, %dma_start3A_139, %dma_start3A_140] : memref<125000x8x64xf32, #tpu.memory_space<hbm>> -> memref<1x8x64xf32, #tpu.memory_space<hbm>>
      %dma_start3A_142 = tpu.memref_squeeze %dma_start3A_141 : memref<1x8x64xf32, #tpu.memory_space<hbm>> -> memref<8x64xf32, #tpu.memory_space<hbm>>
      tpu.enqueue_dma source(%dma_start3A_142 : memref<8x64xf32, #tpu.memory_space<hbm>>) target(%dma_start3A_138 : memref<8x64xf32, #tpu.memory_space<vmem>>) target_semaphore(%arg10 : memref<!tpu.dma_semaphore, #tpu.memory_space<semaphore_mem>>)
      %slice3A_143 = vector.extract_strided_slice %shift_right_logical3A_9 {offsets = [7], sizes = [1], strides = [1]} : vector<16xi32> to vector<1xi32>
      %squeeze3A_144 = vector.extract %slice3A_143[0] : i32 from vector<1xi32>
      %dma_start3A_145 = arith.constant 7 : i32
      %dma_start3A_146 = arith.constant 0 : i32
      %dma_start3A_147 = arith.constant 0 : i32
      %dma_start3A_148 = tpu.memref_slice %arg7[%dma_start3A_145, %dma_start3A_146, %dma_start3A_147] : memref<16x8x64xf32, #tpu.memory_space<vmem>> -> memref<1x8x64xf32, #tpu.memory_space<vmem>>
      %dma_start3A_149 = tpu.memref_squeeze %dma_start3A_148 : memref<1x8x64xf32, #tpu.memory_space<vmem>> -> memref<8x64xf32, #tpu.memory_space<vmem>>
      %dma_start3A_150 = arith.constant 0 : i32
      %dma_start3A_151 = arith.constant 0 : i32
      %dma_start3A_152 = tpu.memref_slice %arg3[%squeeze3A_144, %dma_start3A_150, %dma_start3A_151] : memref<125000x8x64xf32, #tpu.memory_space<hbm>> -> memref<1x8x64xf32, #tpu.memory_space<hbm>>
      %dma_start3A_153 = tpu.memref_squeeze %dma_start3A_152 : memref<1x8x64xf32, #tpu.memory_space<hbm>> -> memref<8x64xf32, #tpu.memory_space<hbm>>
      %dma_start3A_154 = arith.constant 0 : i32
      %dma_start3A_155 = arith.constant 0 : i32
      %dma_start3A_156 = tpu.memref_slice %arg7[%dma_start3A_145, %dma_start3A_154, %dma_start3A_155] : memref<16x8x64xf32, #tpu.memory_space<vmem>> -> memref<1x8x64xf32, #tpu.memory_space<vmem>>
      %dma_start3A_157 = tpu.memref_squeeze %dma_start3A_156 : memref<1x8x64xf32, #tpu.memory_space<vmem>> -> memref<8x64xf32, #tpu.memory_space<vmem>>
      %dma_start3A_158 = arith.constant 0 : i32
      %dma_start3A_159 = arith.constant 0 : i32
      %dma_start3A_160 = tpu.memref_slice %arg3[%squeeze3A_144, %dma_start3A_158, %dma_start3A_159] : memref<125000x8x64xf32, #tpu.memory_space<hbm>> -> memref<1x8x64xf32, #tpu.memory_space<hbm>>
      %dma_start3A_161 = tpu.memref_squeeze %dma_start3A_160 : memref<1x8x64xf32, #tpu.memory_space<hbm>> -> memref<8x64xf32, #tpu.memory_space<hbm>>
      tpu.enqueue_dma source(%dma_start3A_161 : memref<8x64xf32, #tpu.memory_space<hbm>>) target(%dma_start3A_157 : memref<8x64xf32, #tpu.memory_space<vmem>>) target_semaphore(%arg10 : memref<!tpu.dma_semaphore, #tpu.memory_space<semaphore_mem>>)
      %slice3A_162 = vector.extract_strided_slice %shift_right_logical3A_9 {offsets = [8], sizes = [1], strides = [1]} : vector<16xi32> to vector<1xi32>
      %squeeze3A_163 = vector.extract %slice3A_162[0] : i32 from vector<1xi32>
      %dma_start3A_164 = arith.constant 8 : i32
      %dma_start3A_165 = arith.constant 0 : i32
      %dma_start3A_166 = arith.constant 0 : i32
      %dma_start3A_167 = tpu.memref_slice %arg7[%dma_start3A_164, %dma_start3A_165, %dma_start3A_166] : memref<16x8x64xf32, #tpu.memory_space<vmem>> -> memref<1x8x64xf32, #tpu.memory_space<vmem>>
      %dma_start3A_168 = tpu.memref_squeeze %dma_start3A_167 : memref<1x8x64xf32, #tpu.memory_space<vmem>> -> memref<8x64xf32, #tpu.memory_space<vmem>>
      %dma_start3A_169 = arith.constant 0 : i32
      %dma_start3A_170 = arith.constant 0 : i32
      %dma_start3A_171 = tpu.memref_slice %arg3[%squeeze3A_163, %dma_start3A_169, %dma_start3A_170] : memref<125000x8x64xf32, #tpu.memory_space<hbm>> -> memref<1x8x64xf32, #tpu.memory_space<hbm>>
      %dma_start3A_172 = tpu.memref_squeeze %dma_start3A_171 : memref<1x8x64xf32, #tpu.memory_space<hbm>> -> memref<8x64xf32, #tpu.memory_space<hbm>>
      %dma_start3A_173 = arith.constant 0 : i32
      %dma_start3A_174 = arith.constant 0 : i32
      %dma_start3A_175 = tpu.memref_slice %arg7[%dma_start3A_164, %dma_start3A_173, %dma_start3A_174] : memref<16x8x64xf32, #tpu.memory_space<vmem>> -> memref<1x8x64xf32, #tpu.memory_space<vmem>>
      %dma_start3A_176 = tpu.memref_squeeze %dma_start3A_175 : memref<1x8x64xf32, #tpu.memory_space<vmem>> -> memref<8x64xf32, #tpu.memory_space<vmem>>
      %dma_start3A_177 = arith.constant 0 : i32
      %dma_start3A_178 = arith.constant 0 : i32
      %dma_start3A_179 = tpu.memref_slice %arg3[%squeeze3A_163, %dma_start3A_177, %dma_start3A_178] : memref<125000x8x64xf32, #tpu.memory_space<hbm>> -> memref<1x8x64xf32, #tpu.memory_space<hbm>>
      %dma_start3A_180 = tpu.memref_squeeze %dma_start3A_179 : memref<1x8x64xf32, #tpu.memory_space<hbm>> -> memref<8x64xf32, #tpu.memory_space<hbm>>
      tpu.enqueue_dma source(%dma_start3A_180 : memref<8x64xf32, #tpu.memory_space<hbm>>) target(%dma_start3A_176 : memref<8x64xf32, #tpu.memory_space<vmem>>) target_semaphore(%arg10 : memref<!tpu.dma_semaphore, #tpu.memory_space<semaphore_mem>>)
      %slice3A_181 = vector.extract_strided_slice %shift_right_logical3A_9 {offsets = [9], sizes = [1], strides = [1]} : vector<16xi32> to vector<1xi32>
      %squeeze3A_182 = vector.extract %slice3A_181[0] : i32 from vector<1xi32>
      %dma_start3A_183 = arith.constant 9 : i32
      %dma_start3A_184 = arith.constant 0 : i32
      %dma_start3A_185 = arith.constant 0 : i32
      %dma_start3A_186 = tpu.memref_slice %arg7[%dma_start3A_183, %dma_start3A_184, %dma_start3A_185] : memref<16x8x64xf32, #tpu.memory_space<vmem>> -> memref<1x8x64xf32, #tpu.memory_space<vmem>>
      %dma_start3A_187 = tpu.memref_squeeze %dma_start3A_186 : memref<1x8x64xf32, #tpu.memory_space<vmem>> -> memref<8x64xf32, #tpu.memory_space<vmem>>
      %dma_start3A_188 = arith.constant 0 : i32
      %dma_start3A_189 = arith.constant 0 : i32
      %dma_start3A_190 = tpu.memref_slice %arg3[%squeeze3A_182, %dma_start3A_188, %dma_start3A_189] : memref<125000x8x64xf32, #tpu.memory_space<hbm>> -> memref<1x8x64xf32, #tpu.memory_space<hbm>>
      %dma_start3A_191 = tpu.memref_squeeze %dma_start3A_190 : memref<1x8x64xf32, #tpu.memory_space<hbm>> -> memref<8x64xf32, #tpu.memory_space<hbm>>
      %dma_start3A_192 = arith.constant 0 : i32
      %dma_start3A_193 = arith.constant 0 : i32
      %dma_start3A_194 = tpu.memref_slice %arg7[%dma_start3A_183, %dma_start3A_192, %dma_start3A_193] : memref<16x8x64xf32, #tpu.memory_space<vmem>> -> memref<1x8x64xf32, #tpu.memory_space<vmem>>
      %dma_start3A_195 = tpu.memref_squeeze %dma_start3A_194 : memref<1x8x64xf32, #tpu.memory_space<vmem>> -> memref<8x64xf32, #tpu.memory_space<vmem>>
      %dma_start3A_196 = arith.constant 0 : i32
      %dma_start3A_197 = arith.constant 0 : i32
      %dma_start3A_198 = tpu.memref_slice %arg3[%squeeze3A_182, %dma_start3A_196, %dma_start3A_197] : memref<125000x8x64xf32, #tpu.memory_space<hbm>> -> memref<1x8x64xf32, #tpu.memory_space<hbm>>
      %dma_start3A_199 = tpu.memref_squeeze %dma_start3A_198 : memref<1x8x64xf32, #tpu.memory_space<hbm>> -> memref<8x64xf32, #tpu.memory_space<hbm>>
      tpu.enqueue_dma source(%dma_start3A_199 : memref<8x64xf32, #tpu.memory_space<hbm>>) target(%dma_start3A_195 : memref<8x64xf32, #tpu.memory_space<vmem>>) target_semaphore(%arg10 : memref<!tpu.dma_semaphore, #tpu.memory_space<semaphore_mem>>)
      %slice3A_200 = vector.extract_strided_slice %shift_right_logical3A_9 {offsets = [10], sizes = [1], strides = [1]} : vector<16xi32> to vector<1xi32>
      %squeeze3A_201 = vector.extract %slice3A_200[0] : i32 from vector<1xi32>
      %dma_start3A_202 = arith.constant 10 : i32
      %dma_start3A_203 = arith.constant 0 : i32
      %dma_start3A_204 = arith.constant 0 : i32
      %dma_start3A_205 = tpu.memref_slice %arg7[%dma_start3A_202, %dma_start3A_203, %dma_start3A_204] : memref<16x8x64xf32, #tpu.memory_space<vmem>> -> memref<1x8x64xf32, #tpu.memory_space<vmem>>
      %dma_start3A_206 = tpu.memref_squeeze %dma_start3A_205 : memref<1x8x64xf32, #tpu.memory_space<vmem>> -> memref<8x64xf32, #tpu.memory_space<vmem>>
      %dma_start3A_207 = arith.constant 0 : i32
      %dma_start3A_208 = arith.constant 0 : i32
      %dma_start3A_209 = tpu.memref_slice %arg3[%squeeze3A_201, %dma_start3A_207, %dma_start3A_208] : memref<125000x8x64xf32, #tpu.memory_space<hbm>> -> memref<1x8x64xf32, #tpu.memory_space<hbm>>
      %dma_start3A_210 = tpu.memref_squeeze %dma_start3A_209 : memref<1x8x64xf32, #tpu.memory_space<hbm>> -> memref<8x64xf32, #tpu.memory_space<hbm>>
      %dma_start3A_211 = arith.constant 0 : i32
      %dma_start3A_212 = arith.constant 0 : i32
      %dma_start3A_213 = tpu.memref_slice %arg7[%dma_start3A_202, %dma_start3A_211, %dma_start3A_212] : memref<16x8x64xf32, #tpu.memory_space<vmem>> -> memref<1x8x64xf32, #tpu.memory_space<vmem>>
      %dma_start3A_214 = tpu.memref_squeeze %dma_start3A_213 : memref<1x8x64xf32, #tpu.memory_space<vmem>> -> memref<8x64xf32, #tpu.memory_space<vmem>>
      %dma_start3A_215 = arith.constant 0 : i32
      %dma_start3A_216 = arith.constant 0 : i32
      %dma_start3A_217 = tpu.memref_slice %arg3[%squeeze3A_201, %dma_start3A_215, %dma_start3A_216] : memref<125000x8x64xf32, #tpu.memory_space<hbm>> -> memref<1x8x64xf32, #tpu.memory_space<hbm>>
      %dma_start3A_218 = tpu.memref_squeeze %dma_start3A_217 : memref<1x8x64xf32, #tpu.memory_space<hbm>> -> memref<8x64xf32, #tpu.memory_space<hbm>>
      tpu.enqueue_dma source(%dma_start3A_218 : memref<8x64xf32, #tpu.memory_space<hbm>>) target(%dma_start3A_214 : memref<8x64xf32, #tpu.memory_space<vmem>>) target_semaphore(%arg10 : memref<!tpu.dma_semaphore, #tpu.memory_space<semaphore_mem>>)
      %slice3A_219 = vector.extract_strided_slice %shift_right_logical3A_9 {offsets = [11], sizes = [1], strides = [1]} : vector<16xi32> to vector<1xi32>
      %squeeze3A_220 = vector.extract %slice3A_219[0] : i32 from vector<1xi32>
      %dma_start3A_221 = arith.constant 11 : i32
      %dma_start3A_222 = arith.constant 0 : i32
      %dma_start3A_223 = arith.constant 0 : i32
      %dma_start3A_224 = tpu.memref_slice %arg7[%dma_start3A_221, %dma_start3A_222, %dma_start3A_223] : memref<16x8x64xf32, #tpu.memory_space<vmem>> -> memref<1x8x64xf32, #tpu.memory_space<vmem>>
      %dma_start3A_225 = tpu.memref_squeeze %dma_start3A_224 : memref<1x8x64xf32, #tpu.memory_space<vmem>> -> memref<8x64xf32, #tpu.memory_space<vmem>>
      %dma_start3A_226 = arith.constant 0 : i32
      %dma_start3A_227 = arith.constant 0 : i32
      %dma_start3A_228 = tpu.memref_slice %arg3[%squeeze3A_220, %dma_start3A_226, %dma_start3A_227] : memref<125000x8x64xf32, #tpu.memory_space<hbm>> -> memref<1x8x64xf32, #tpu.memory_space<hbm>>
      %dma_start3A_229 = tpu.memref_squeeze %dma_start3A_228 : memref<1x8x64xf32, #tpu.memory_space<hbm>> -> memref<8x64xf32, #tpu.memory_space<hbm>>
      %dma_start3A_230 = arith.constant 0 : i32
      %dma_start3A_231 = arith.constant 0 : i32
      %dma_start3A_232 = tpu.memref_slice %arg7[%dma_start3A_221, %dma_start3A_230, %dma_start3A_231] : memref<16x8x64xf32, #tpu.memory_space<vmem>> -> memref<1x8x64xf32, #tpu.memory_space<vmem>>
      %dma_start3A_233 = tpu.memref_squeeze %dma_start3A_232 : memref<1x8x64xf32, #tpu.memory_space<vmem>> -> memref<8x64xf32, #tpu.memory_space<vmem>>
      %dma_start3A_234 = arith.constant 0 : i32
      %dma_start3A_235 = arith.constant 0 : i32
      %dma_start3A_236 = tpu.memref_slice %arg3[%squeeze3A_220, %dma_start3A_234, %dma_start3A_235] : memref<125000x8x64xf32, #tpu.memory_space<hbm>> -> memref<1x8x64xf32, #tpu.memory_space<hbm>>
      %dma_start3A_237 = tpu.memref_squeeze %dma_start3A_236 : memref<1x8x64xf32, #tpu.memory_space<hbm>> -> memref<8x64xf32, #tpu.memory_space<hbm>>
      tpu.enqueue_dma source(%dma_start3A_237 : memref<8x64xf32, #tpu.memory_space<hbm>>) target(%dma_start3A_233 : memref<8x64xf32, #tpu.memory_space<vmem>>) target_semaphore(%arg10 : memref<!tpu.dma_semaphore, #tpu.memory_space<semaphore_mem>>)
      %slice3A_238 = vector.extract_strided_slice %shift_right_logical3A_9 {offsets = [12], sizes = [1], strides = [1]} : vector<16xi32> to vector<1xi32>
      %squeeze3A_239 = vector.extract %slice3A_238[0] : i32 from vector<1xi32>
      %dma_start3A_240 = arith.constant 12 : i32
      %dma_start3A_241 = arith.constant 0 : i32
      %dma_start3A_242 = arith.constant 0 : i32
      %dma_start3A_243 = tpu.memref_slice %arg7[%dma_start3A_240, %dma_start3A_241, %dma_start3A_242] : memref<16x8x64xf32, #tpu.memory_space<vmem>> -> memref<1x8x64xf32, #tpu.memory_space<vmem>>
      %dma_start3A_244 = tpu.memref_squeeze %dma_start3A_243 : memref<1x8x64xf32, #tpu.memory_space<vmem>> -> memref<8x64xf32, #tpu.memory_space<vmem>>
      %dma_start3A_245 = arith.constant 0 : i32
      %dma_start3A_246 = arith.constant 0 : i32
      %dma_start3A_247 = tpu.memref_slice %arg3[%squeeze3A_239, %dma_start3A_245, %dma_start3A_246] : memref<125000x8x64xf32, #tpu.memory_space<hbm>> -> memref<1x8x64xf32, #tpu.memory_space<hbm>>
      %dma_start3A_248 = tpu.memref_squeeze %dma_start3A_247 : memref<1x8x64xf32, #tpu.memory_space<hbm>> -> memref<8x64xf32, #tpu.memory_space<hbm>>
      %dma_start3A_249 = arith.constant 0 : i32
      %dma_start3A_250 = arith.constant 0 : i32
      %dma_start3A_251 = tpu.memref_slice %arg7[%dma_start3A_240, %dma_start3A_249, %dma_start3A_250] : memref<16x8x64xf32, #tpu.memory_space<vmem>> -> memref<1x8x64xf32, #tpu.memory_space<vmem>>
      %dma_start3A_252 = tpu.memref_squeeze %dma_start3A_251 : memref<1x8x64xf32, #tpu.memory_space<vmem>> -> memref<8x64xf32, #tpu.memory_space<vmem>>
      %dma_start3A_253 = arith.constant 0 : i32
      %dma_start3A_254 = arith.constant 0 : i32
      %dma_start3A_255 = tpu.memref_slice %arg3[%squeeze3A_239, %dma_start3A_253, %dma_start3A_254] : memref<125000x8x64xf32, #tpu.memory_space<hbm>> -> memref<1x8x64xf32, #tpu.memory_space<hbm>>
      %dma_start3A_256 = tpu.memref_squeeze %dma_start3A_255 : memref<1x8x64xf32, #tpu.memory_space<hbm>> -> memref<8x64xf32, #tpu.memory_space<hbm>>
      tpu.enqueue_dma source(%dma_start3A_256 : memref<8x64xf32, #tpu.memory_space<hbm>>) target(%dma_start3A_252 : memref<8x64xf32, #tpu.memory_space<vmem>>) target_semaphore(%arg10 : memref<!tpu.dma_semaphore, #tpu.memory_space<semaphore_mem>>)
      %slice3A_257 = vector.extract_strided_slice %shift_right_logical3A_9 {offsets = [13], sizes = [1], strides = [1]} : vector<16xi32> to vector<1xi32>
      %squeeze3A_258 = vector.extract %slice3A_257[0] : i32 from vector<1xi32>
      %dma_start3A_259 = arith.constant 13 : i32
      %dma_start3A_260 = arith.constant 0 : i32
      %dma_start3A_261 = arith.constant 0 : i32
      %dma_start3A_262 = tpu.memref_slice %arg7[%dma_start3A_259, %dma_start3A_260, %dma_start3A_261] : memref<16x8x64xf32, #tpu.memory_space<vmem>> -> memref<1x8x64xf32, #tpu.memory_space<vmem>>
      %dma_start3A_263 = tpu.memref_squeeze %dma_start3A_262 : memref<1x8x64xf32, #tpu.memory_space<vmem>> -> memref<8x64xf32, #tpu.memory_space<vmem>>
      %dma_start3A_264 = arith.constant 0 : i32
      %dma_start3A_265 = arith.constant 0 : i32
      %dma_start3A_266 = tpu.memref_slice %arg3[%squeeze3A_258, %dma_start3A_264, %dma_start3A_265] : memref<125000x8x64xf32, #tpu.memory_space<hbm>> -> memref<1x8x64xf32, #tpu.memory_space<hbm>>
      %dma_start3A_267 = tpu.memref_squeeze %dma_start3A_266 : memref<1x8x64xf32, #tpu.memory_space<hbm>> -> memref<8x64xf32, #tpu.memory_space<hbm>>
      %dma_start3A_268 = arith.constant 0 : i32
      %dma_start3A_269 = arith.constant 0 : i32
      %dma_start3A_270 = tpu.memref_slice %arg7[%dma_start3A_259, %dma_start3A_268, %dma_start3A_269] : memref<16x8x64xf32, #tpu.memory_space<vmem>> -> memref<1x8x64xf32, #tpu.memory_space<vmem>>
      %dma_start3A_271 = tpu.memref_squeeze %dma_start3A_270 : memref<1x8x64xf32, #tpu.memory_space<vmem>> -> memref<8x64xf32, #tpu.memory_space<vmem>>
      %dma_start3A_272 = arith.constant 0 : i32
      %dma_start3A_273 = arith.constant 0 : i32
      %dma_start3A_274 = tpu.memref_slice %arg3[%squeeze3A_258, %dma_start3A_272, %dma_start3A_273] : memref<125000x8x64xf32, #tpu.memory_space<hbm>> -> memref<1x8x64xf32, #tpu.memory_space<hbm>>
      %dma_start3A_275 = tpu.memref_squeeze %dma_start3A_274 : memref<1x8x64xf32, #tpu.memory_space<hbm>> -> memref<8x64xf32, #tpu.memory_space<hbm>>
      tpu.enqueue_dma source(%dma_start3A_275 : memref<8x64xf32, #tpu.memory_space<hbm>>) target(%dma_start3A_271 : memref<8x64xf32, #tpu.memory_space<vmem>>) target_semaphore(%arg10 : memref<!tpu.dma_semaphore, #tpu.memory_space<semaphore_mem>>)
      %slice3A_276 = vector.extract_strided_slice %shift_right_logical3A_9 {offsets = [14], sizes = [1], strides = [1]} : vector<16xi32> to vector<1xi32>
      %squeeze3A_277 = vector.extract %slice3A_276[0] : i32 from vector<1xi32>
      %dma_start3A_278 = arith.constant 14 : i32
      %dma_start3A_279 = arith.constant 0 : i32
      %dma_start3A_280 = arith.constant 0 : i32
      %dma_start3A_281 = tpu.memref_slice %arg7[%dma_start3A_278, %dma_start3A_279, %dma_start3A_280] : memref<16x8x64xf32, #tpu.memory_space<vmem>> -> memref<1x8x64xf32, #tpu.memory_space<vmem>>
      %dma_start3A_282 = tpu.memref_squeeze %dma_start3A_281 : memref<1x8x64xf32, #tpu.memory_space<vmem>> -> memref<8x64xf32, #tpu.memory_space<vmem>>
      %dma_start3A_283 = arith.constant 0 : i32
      %dma_start3A_284 = arith.constant 0 : i32
      %dma_start3A_285 = tpu.memref_slice %arg3[%squeeze3A_277, %dma_start3A_283, %dma_start3A_284] : memref<125000x8x64xf32, #tpu.memory_space<hbm>> -> memref<1x8x64xf32, #tpu.memory_space<hbm>>
      %dma_start3A_286 = tpu.memref_squeeze %dma_start3A_285 : memref<1x8x64xf32, #tpu.memory_space<hbm>> -> memref<8x64xf32, #tpu.memory_space<hbm>>
      %dma_start3A_287 = arith.constant 0 : i32
      %dma_start3A_288 = arith.constant 0 : i32
      %dma_start3A_289 = tpu.memref_slice %arg7[%dma_start3A_278, %dma_start3A_287, %dma_start3A_288] : memref<16x8x64xf32, #tpu.memory_space<vmem>> -> memref<1x8x64xf32, #tpu.memory_space<vmem>>
      %dma_start3A_290 = tpu.memref_squeeze %dma_start3A_289 : memref<1x8x64xf32, #tpu.memory_space<vmem>> -> memref<8x64xf32, #tpu.memory_space<vmem>>
      %dma_start3A_291 = arith.constant 0 : i32
      %dma_start3A_292 = arith.constant 0 : i32
      %dma_start3A_293 = tpu.memref_slice %arg3[%squeeze3A_277, %dma_start3A_291, %dma_start3A_292] : memref<125000x8x64xf32, #tpu.memory_space<hbm>> -> memref<1x8x64xf32, #tpu.memory_space<hbm>>
      %dma_start3A_294 = tpu.memref_squeeze %dma_start3A_293 : memref<1x8x64xf32, #tpu.memory_space<hbm>> -> memref<8x64xf32, #tpu.memory_space<hbm>>
      tpu.enqueue_dma source(%dma_start3A_294 : memref<8x64xf32, #tpu.memory_space<hbm>>) target(%dma_start3A_290 : memref<8x64xf32, #tpu.memory_space<vmem>>) target_semaphore(%arg10 : memref<!tpu.dma_semaphore, #tpu.memory_space<semaphore_mem>>)
      %slice3A_295 = vector.extract_strided_slice %shift_right_logical3A_9 {offsets = [15], sizes = [1], strides = [1]} : vector<16xi32> to vector<1xi32>
      %squeeze3A_296 = vector.extract %slice3A_295[0] : i32 from vector<1xi32>
      %dma_start3A_297 = arith.constant 15 : i32
      %dma_start3A_298 = arith.constant 0 : i32
      %dma_start3A_299 = arith.constant 0 : i32
      %dma_start3A_300 = tpu.memref_slice %arg7[%dma_start3A_297, %dma_start3A_298, %dma_start3A_299] : memref<16x8x64xf32, #tpu.memory_space<vmem>> -> memref<1x8x64xf32, #tpu.memory_space<vmem>>
      %dma_start3A_301 = tpu.memref_squeeze %dma_start3A_300 : memref<1x8x64xf32, #tpu.memory_space<vmem>> -> memref<8x64xf32, #tpu.memory_space<vmem>>
      %dma_start3A_302 = arith.constant 0 : i32
      %dma_start3A_303 = arith.constant 0 : i32
      %dma_start3A_304 = tpu.memref_slice %arg3[%squeeze3A_296, %dma_start3A_302, %dma_start3A_303] : memref<125000x8x64xf32, #tpu.memory_space<hbm>> -> memref<1x8x64xf32, #tpu.memory_space<hbm>>
      %dma_start3A_305 = tpu.memref_squeeze %dma_start3A_304 : memref<1x8x64xf32, #tpu.memory_space<hbm>> -> memref<8x64xf32, #tpu.memory_space<hbm>>
      %dma_start3A_306 = arith.constant 0 : i32
      %dma_start3A_307 = arith.constant 0 : i32
      %dma_start3A_308 = tpu.memref_slice %arg7[%dma_start3A_297, %dma_start3A_306, %dma_start3A_307] : memref<16x8x64xf32, #tpu.memory_space<vmem>> -> memref<1x8x64xf32, #tpu.memory_space<vmem>>
      %dma_start3A_309 = tpu.memref_squeeze %dma_start3A_308 : memref<1x8x64xf32, #tpu.memory_space<vmem>> -> memref<8x64xf32, #tpu.memory_space<vmem>>
      %dma_start3A_310 = arith.constant 0 : i32
      %dma_start3A_311 = arith.constant 0 : i32
      %dma_start3A_312 = tpu.memref_slice %arg3[%squeeze3A_296, %dma_start3A_310, %dma_start3A_311] : memref<125000x8x64xf32, #tpu.memory_space<hbm>> -> memref<1x8x64xf32, #tpu.memory_space<hbm>>
      %dma_start3A_313 = tpu.memref_squeeze %dma_start3A_312 : memref<1x8x64xf32, #tpu.memory_space<hbm>> -> memref<8x64xf32, #tpu.memory_space<hbm>>
      tpu.enqueue_dma source(%dma_start3A_313 : memref<8x64xf32, #tpu.memory_space<hbm>>) target(%dma_start3A_309 : memref<8x64xf32, #tpu.memory_space<vmem>>) target_semaphore(%arg10 : memref<!tpu.dma_semaphore, #tpu.memory_space<semaphore_mem>>)
      %dma_wait3A = arith.constant 0 : i32
      %dma_wait3A_314 = tpu.memref_slice %arg4[%dma_wait3A] : memref<1000000xf32, #tpu.memory_space<hbm>> -> memref<1000000xf32, #tpu.memory_space<hbm>>
      tpu.wait_indirect_dma semaphore(%arg10 : memref<!tpu.dma_semaphore, #tpu.memory_space<semaphore_mem>>) src(%dma_wait3A_314 : memref<1000000xf32, #tpu.memory_space<hbm>>) dst(%arg8 : memref<16xf32, #tpu.memory_space<vmem>>)
      %dma_wait3A_315 = arith.constant 0 : i32
      %dma_wait3A_316 = arith.constant 0 : i32
      %dma_wait3A_317 = arith.constant 0 : i32
      %dma_wait3A_318 = tpu.memref_slice %arg7[%dma_wait3A_315, %dma_wait3A_316, %dma_wait3A_317] : memref<16x8x64xf32, #tpu.memory_space<vmem>> -> memref<1x8x64xf32, #tpu.memory_space<vmem>>
      %dma_wait3A_319 = tpu.memref_squeeze %dma_wait3A_318 : memref<1x8x64xf32, #tpu.memory_space<vmem>> -> memref<8x64xf32, #tpu.memory_space<vmem>>
      %dma_wait3A_320 = arith.constant 0 : i32
      %dma_wait3A_321 = arith.constant 0 : i32
      %dma_wait3A_322 = tpu.memref_slice %arg3[%squeeze3A, %dma_wait3A_320, %dma_wait3A_321] : memref<125000x8x64xf32, #tpu.memory_space<hbm>> -> memref<1x8x64xf32, #tpu.memory_space<hbm>>
      %dma_wait3A_323 = tpu.memref_squeeze %dma_wait3A_322 : memref<1x8x64xf32, #tpu.memory_space<hbm>> -> memref<8x64xf32, #tpu.memory_space<hbm>>
      %dma_wait3A_324 = arith.constant 0 : i32
      %dma_wait3A_325 = arith.constant 0 : i32
      %dma_wait3A_326 = tpu.memref_slice %arg7[%dma_wait3A_315, %dma_wait3A_324, %dma_wait3A_325] : memref<16x8x64xf32, #tpu.memory_space<vmem>> -> memref<1x8x64xf32, #tpu.memory_space<vmem>>
      %dma_wait3A_327 = tpu.memref_squeeze %dma_wait3A_326 : memref<1x8x64xf32, #tpu.memory_space<vmem>> -> memref<8x64xf32, #tpu.memory_space<vmem>>
      %dma_wait3A_328 = arith.constant 0 : i32
      %dma_wait3A_329 = arith.constant 0 : i32
      %dma_wait3A_330 = tpu.memref_slice %arg3[%squeeze3A, %dma_wait3A_328, %dma_wait3A_329] : memref<125000x8x64xf32, #tpu.memory_space<hbm>> -> memref<1x8x64xf32, #tpu.memory_space<hbm>>
      %dma_wait3A_331 = tpu.memref_squeeze %dma_wait3A_330 : memref<1x8x64xf32, #tpu.memory_space<hbm>> -> memref<8x64xf32, #tpu.memory_space<hbm>>
      tpu.wait_dma2 semaphore(%arg10 : memref<!tpu.dma_semaphore, #tpu.memory_space<semaphore_mem>>) src(%dma_wait3A_331 : memref<8x64xf32, #tpu.memory_space<hbm>>) dst(%dma_wait3A_327 : memref<8x64xf32, #tpu.memory_space<vmem>>)
      %dma_wait3A_332 = arith.constant 1 : i32
      %dma_wait3A_333 = arith.constant 0 : i32
      %dma_wait3A_334 = arith.constant 0 : i32
      %dma_wait3A_335 = tpu.memref_slice %arg7[%dma_wait3A_332, %dma_wait3A_333, %dma_wait3A_334] : memref<16x8x64xf32, #tpu.memory_space<vmem>> -> memref<1x8x64xf32, #tpu.memory_space<vmem>>
      %dma_wait3A_336 = tpu.memref_squeeze %dma_wait3A_335 : memref<1x8x64xf32, #tpu.memory_space<vmem>> -> memref<8x64xf32, #tpu.memory_space<vmem>>
      %dma_wait3A_337 = arith.constant 0 : i32
      %dma_wait3A_338 = arith.constant 0 : i32
      %dma_wait3A_339 = tpu.memref_slice %arg3[%squeeze3A_30, %dma_wait3A_337, %dma_wait3A_338] : memref<125000x8x64xf32, #tpu.memory_space<hbm>> -> memref<1x8x64xf32, #tpu.memory_space<hbm>>
      %dma_wait3A_340 = tpu.memref_squeeze %dma_wait3A_339 : memref<1x8x64xf32, #tpu.memory_space<hbm>> -> memref<8x64xf32, #tpu.memory_space<hbm>>
      %dma_wait3A_341 = arith.constant 0 : i32
      %dma_wait3A_342 = arith.constant 0 : i32
      %dma_wait3A_343 = tpu.memref_slice %arg7[%dma_wait3A_332, %dma_wait3A_341, %dma_wait3A_342] : memref<16x8x64xf32, #tpu.memory_space<vmem>> -> memref<1x8x64xf32, #tpu.memory_space<vmem>>
      %dma_wait3A_344 = tpu.memref_squeeze %dma_wait3A_343 : memref<1x8x64xf32, #tpu.memory_space<vmem>> -> memref<8x64xf32, #tpu.memory_space<vmem>>
      %dma_wait3A_345 = arith.constant 0 : i32
      %dma_wait3A_346 = arith.constant 0 : i32
      %dma_wait3A_347 = tpu.memref_slice %arg3[%squeeze3A_30, %dma_wait3A_345, %dma_wait3A_346] : memref<125000x8x64xf32, #tpu.memory_space<hbm>> -> memref<1x8x64xf32, #tpu.memory_space<hbm>>
      %dma_wait3A_348 = tpu.memref_squeeze %dma_wait3A_347 : memref<1x8x64xf32, #tpu.memory_space<hbm>> -> memref<8x64xf32, #tpu.memory_space<hbm>>
      tpu.wait_dma2 semaphore(%arg10 : memref<!tpu.dma_semaphore, #tpu.memory_space<semaphore_mem>>) src(%dma_wait3A_348 : memref<8x64xf32, #tpu.memory_space<hbm>>) dst(%dma_wait3A_344 : memref<8x64xf32, #tpu.memory_space<vmem>>)
      %dma_wait3A_349 = arith.constant 2 : i32
      %dma_wait3A_350 = arith.constant 0 : i32
      %dma_wait3A_351 = arith.constant 0 : i32
      %dma_wait3A_352 = tpu.memref_slice %arg7[%dma_wait3A_349, %dma_wait3A_350, %dma_wait3A_351] : memref<16x8x64xf32, #tpu.memory_space<vmem>> -> memref<1x8x64xf32, #tpu.memory_space<vmem>>
      %dma_wait3A_353 = tpu.memref_squeeze %dma_wait3A_352 : memref<1x8x64xf32, #tpu.memory_space<vmem>> -> memref<8x64xf32, #tpu.memory_space<vmem>>
      %dma_wait3A_354 = arith.constant 0 : i32
      %dma_wait3A_355 = arith.constant 0 : i32
      %dma_wait3A_356 = tpu.memref_slice %arg3[%squeeze3A_49, %dma_wait3A_354, %dma_wait3A_355] : memref<125000x8x64xf32, #tpu.memory_space<hbm>> -> memref<1x8x64xf32, #tpu.memory_space<hbm>>
      %dma_wait3A_357 = tpu.memref_squeeze %dma_wait3A_356 : memref<1x8x64xf32, #tpu.memory_space<hbm>> -> memref<8x64xf32, #tpu.memory_space<hbm>>
      %dma_wait3A_358 = arith.constant 0 : i32
      %dma_wait3A_359 = arith.constant 0 : i32
      %dma_wait3A_360 = tpu.memref_slice %arg7[%dma_wait3A_349, %dma_wait3A_358, %dma_wait3A_359] : memref<16x8x64xf32, #tpu.memory_space<vmem>> -> memref<1x8x64xf32, #tpu.memory_space<vmem>>
      %dma_wait3A_361 = tpu.memref_squeeze %dma_wait3A_360 : memref<1x8x64xf32, #tpu.memory_space<vmem>> -> memref<8x64xf32, #tpu.memory_space<vmem>>
      %dma_wait3A_362 = arith.constant 0 : i32
      %dma_wait3A_363 = arith.constant 0 : i32
      %dma_wait3A_364 = tpu.memref_slice %arg3[%squeeze3A_49, %dma_wait3A_362, %dma_wait3A_363] : memref<125000x8x64xf32, #tpu.memory_space<hbm>> -> memref<1x8x64xf32, #tpu.memory_space<hbm>>
      %dma_wait3A_365 = tpu.memref_squeeze %dma_wait3A_364 : memref<1x8x64xf32, #tpu.memory_space<hbm>> -> memref<8x64xf32, #tpu.memory_space<hbm>>
      tpu.wait_dma2 semaphore(%arg10 : memref<!tpu.dma_semaphore, #tpu.memory_space<semaphore_mem>>) src(%dma_wait3A_365 : memref<8x64xf32, #tpu.memory_space<hbm>>) dst(%dma_wait3A_361 : memref<8x64xf32, #tpu.memory_space<vmem>>)
      %dma_wait3A_366 = arith.constant 3 : i32
      %dma_wait3A_367 = arith.constant 0 : i32
      %dma_wait3A_368 = arith.constant 0 : i32
      %dma_wait3A_369 = tpu.memref_slice %arg7[%dma_wait3A_366, %dma_wait3A_367, %dma_wait3A_368] : memref<16x8x64xf32, #tpu.memory_space<vmem>> -> memref<1x8x64xf32, #tpu.memory_space<vmem>>
      %dma_wait3A_370 = tpu.memref_squeeze %dma_wait3A_369 : memref<1x8x64xf32, #tpu.memory_space<vmem>> -> memref<8x64xf32, #tpu.memory_space<vmem>>
      %dma_wait3A_371 = arith.constant 0 : i32
      %dma_wait3A_372 = arith.constant 0 : i32
      %dma_wait3A_373 = tpu.memref_slice %arg3[%squeeze3A_68, %dma_wait3A_371, %dma_wait3A_372] : memref<125000x8x64xf32, #tpu.memory_space<hbm>> -> memref<1x8x64xf32, #tpu.memory_space<hbm>>
      %dma_wait3A_374 = tpu.memref_squeeze %dma_wait3A_373 : memref<1x8x64xf32, #tpu.memory_space<hbm>> -> memref<8x64xf32, #tpu.memory_space<hbm>>
      %dma_wait3A_375 = arith.constant 0 : i32
      %dma_wait3A_376 = arith.constant 0 : i32
      %dma_wait3A_377 = tpu.memref_slice %arg7[%dma_wait3A_366, %dma_wait3A_375, %dma_wait3A_376] : memref<16x8x64xf32, #tpu.memory_space<vmem>> -> memref<1x8x64xf32, #tpu.memory_space<vmem>>
      %dma_wait3A_378 = tpu.memref_squeeze %dma_wait3A_377 : memref<1x8x64xf32, #tpu.memory_space<vmem>> -> memref<8x64xf32, #tpu.memory_space<vmem>>
      %dma_wait3A_379 = arith.constant 0 : i32
      %dma_wait3A_380 = arith.constant 0 : i32
      %dma_wait3A_381 = tpu.memref_slice %arg3[%squeeze3A_68, %dma_wait3A_379, %dma_wait3A_380] : memref<125000x8x64xf32, #tpu.memory_space<hbm>> -> memref<1x8x64xf32, #tpu.memory_space<hbm>>
      %dma_wait3A_382 = tpu.memref_squeeze %dma_wait3A_381 : memref<1x8x64xf32, #tpu.memory_space<hbm>> -> memref<8x64xf32, #tpu.memory_space<hbm>>
      tpu.wait_dma2 semaphore(%arg10 : memref<!tpu.dma_semaphore, #tpu.memory_space<semaphore_mem>>) src(%dma_wait3A_382 : memref<8x64xf32, #tpu.memory_space<hbm>>) dst(%dma_wait3A_378 : memref<8x64xf32, #tpu.memory_space<vmem>>)
      %dma_wait3A_383 = arith.constant 4 : i32
      %dma_wait3A_384 = arith.constant 0 : i32
      %dma_wait3A_385 = arith.constant 0 : i32
      %dma_wait3A_386 = tpu.memref_slice %arg7[%dma_wait3A_383, %dma_wait3A_384, %dma_wait3A_385] : memref<16x8x64xf32, #tpu.memory_space<vmem>> -> memref<1x8x64xf32, #tpu.memory_space<vmem>>
      %dma_wait3A_387 = tpu.memref_squeeze %dma_wait3A_386 : memref<1x8x64xf32, #tpu.memory_space<vmem>> -> memref<8x64xf32, #tpu.memory_space<vmem>>
      %dma_wait3A_388 = arith.constant 0 : i32
      %dma_wait3A_389 = arith.constant 0 : i32
      %dma_wait3A_390 = tpu.memref_slice %arg3[%squeeze3A_87, %dma_wait3A_388, %dma_wait3A_389] : memref<125000x8x64xf32, #tpu.memory_space<hbm>> -> memref<1x8x64xf32, #tpu.memory_space<hbm>>
      %dma_wait3A_391 = tpu.memref_squeeze %dma_wait3A_390 : memref<1x8x64xf32, #tpu.memory_space<hbm>> -> memref<8x64xf32, #tpu.memory_space<hbm>>
      %dma_wait3A_392 = arith.constant 0 : i32
      %dma_wait3A_393 = arith.constant 0 : i32
      %dma_wait3A_394 = tpu.memref_slice %arg7[%dma_wait3A_383, %dma_wait3A_392, %dma_wait3A_393] : memref<16x8x64xf32, #tpu.memory_space<vmem>> -> memref<1x8x64xf32, #tpu.memory_space<vmem>>
      %dma_wait3A_395 = tpu.memref_squeeze %dma_wait3A_394 : memref<1x8x64xf32, #tpu.memory_space<vmem>> -> memref<8x64xf32, #tpu.memory_space<vmem>>
      %dma_wait3A_396 = arith.constant 0 : i32
      %dma_wait3A_397 = arith.constant 0 : i32
      %dma_wait3A_398 = tpu.memref_slice %arg3[%squeeze3A_87, %dma_wait3A_396, %dma_wait3A_397] : memref<125000x8x64xf32, #tpu.memory_space<hbm>> -> memref<1x8x64xf32, #tpu.memory_space<hbm>>
      %dma_wait3A_399 = tpu.memref_squeeze %dma_wait3A_398 : memref<1x8x64xf32, #tpu.memory_space<hbm>> -> memref<8x64xf32, #tpu.memory_space<hbm>>
      tpu.wait_dma2 semaphore(%arg10 : memref<!tpu.dma_semaphore, #tpu.memory_space<semaphore_mem>>) src(%dma_wait3A_399 : memref<8x64xf32, #tpu.memory_space<hbm>>) dst(%dma_wait3A_395 : memref<8x64xf32, #tpu.memory_space<vmem>>)
      %dma_wait3A_400 = arith.constant 5 : i32
      %dma_wait3A_401 = arith.constant 0 : i32
      %dma_wait3A_402 = arith.constant 0 : i32
      %dma_wait3A_403 = tpu.memref_slice %arg7[%dma_wait3A_400, %dma_wait3A_401, %dma_wait3A_402] : memref<16x8x64xf32, #tpu.memory_space<vmem>> -> memref<1x8x64xf32, #tpu.memory_space<vmem>>
      %dma_wait3A_404 = tpu.memref_squeeze %dma_wait3A_403 : memref<1x8x64xf32, #tpu.memory_space<vmem>> -> memref<8x64xf32, #tpu.memory_space<vmem>>
      %dma_wait3A_405 = arith.constant 0 : i32
      %dma_wait3A_406 = arith.constant 0 : i32
      %dma_wait3A_407 = tpu.memref_slice %arg3[%squeeze3A_106, %dma_wait3A_405, %dma_wait3A_406] : memref<125000x8x64xf32, #tpu.memory_space<hbm>> -> memref<1x8x64xf32, #tpu.memory_space<hbm>>
      %dma_wait3A_408 = tpu.memref_squeeze %dma_wait3A_407 : memref<1x8x64xf32, #tpu.memory_space<hbm>> -> memref<8x64xf32, #tpu.memory_space<hbm>>
      %dma_wait3A_409 = arith.constant 0 : i32
      %dma_wait3A_410 = arith.constant 0 : i32
      %dma_wait3A_411 = tpu.memref_slice %arg7[%dma_wait3A_400, %dma_wait3A_409, %dma_wait3A_410] : memref<16x8x64xf32, #tpu.memory_space<vmem>> -> memref<1x8x64xf32, #tpu.memory_space<vmem>>
      %dma_wait3A_412 = tpu.memref_squeeze %dma_wait3A_411 : memref<1x8x64xf32, #tpu.memory_space<vmem>> -> memref<8x64xf32, #tpu.memory_space<vmem>>
      %dma_wait3A_413 = arith.constant 0 : i32
      %dma_wait3A_414 = arith.constant 0 : i32
      %dma_wait3A_415 = tpu.memref_slice %arg3[%squeeze3A_106, %dma_wait3A_413, %dma_wait3A_414] : memref<125000x8x64xf32, #tpu.memory_space<hbm>> -> memref<1x8x64xf32, #tpu.memory_space<hbm>>
      %dma_wait3A_416 = tpu.memref_squeeze %dma_wait3A_415 : memref<1x8x64xf32, #tpu.memory_space<hbm>> -> memref<8x64xf32, #tpu.memory_space<hbm>>
      tpu.wait_dma2 semaphore(%arg10 : memref<!tpu.dma_semaphore, #tpu.memory_space<semaphore_mem>>) src(%dma_wait3A_416 : memref<8x64xf32, #tpu.memory_space<hbm>>) dst(%dma_wait3A_412 : memref<8x64xf32, #tpu.memory_space<vmem>>)
      %dma_wait3A_417 = arith.constant 6 : i32
      %dma_wait3A_418 = arith.constant 0 : i32
      %dma_wait3A_419 = arith.constant 0 : i32
      %dma_wait3A_420 = tpu.memref_slice %arg7[%dma_wait3A_417, %dma_wait3A_418, %dma_wait3A_419] : memref<16x8x64xf32, #tpu.memory_space<vmem>> -> memref<1x8x64xf32, #tpu.memory_space<vmem>>
      %dma_wait3A_421 = tpu.memref_squeeze %dma_wait3A_420 : memref<1x8x64xf32, #tpu.memory_space<vmem>> -> memref<8x64xf32, #tpu.memory_space<vmem>>
      %dma_wait3A_422 = arith.constant 0 : i32
      %dma_wait3A_423 = arith.constant 0 : i32
      %dma_wait3A_424 = tpu.memref_slice %arg3[%squeeze3A_125, %dma_wait3A_422, %dma_wait3A_423] : memref<125000x8x64xf32, #tpu.memory_space<hbm>> -> memref<1x8x64xf32, #tpu.memory_space<hbm>>
      %dma_wait3A_425 = tpu.memref_squeeze %dma_wait3A_424 : memref<1x8x64xf32, #tpu.memory_space<hbm>> -> memref<8x64xf32, #tpu.memory_space<hbm>>
      %dma_wait3A_426 = arith.constant 0 : i32
      %dma_wait3A_427 = arith.constant 0 : i32
      %dma_wait3A_428 = tpu.memref_slice %arg7[%dma_wait3A_417, %dma_wait3A_426, %dma_wait3A_427] : memref<16x8x64xf32, #tpu.memory_space<vmem>> -> memref<1x8x64xf32, #tpu.memory_space<vmem>>
      %dma_wait3A_429 = tpu.memref_squeeze %dma_wait3A_428 : memref<1x8x64xf32, #tpu.memory_space<vmem>> -> memref<8x64xf32, #tpu.memory_space<vmem>>
      %dma_wait3A_430 = arith.constant 0 : i32
      %dma_wait3A_431 = arith.constant 0 : i32
      %dma_wait3A_432 = tpu.memref_slice %arg3[%squeeze3A_125, %dma_wait3A_430, %dma_wait3A_431] : memref<125000x8x64xf32, #tpu.memory_space<hbm>> -> memref<1x8x64xf32, #tpu.memory_space<hbm>>
      %dma_wait3A_433 = tpu.memref_squeeze %dma_wait3A_432 : memref<1x8x64xf32, #tpu.memory_space<hbm>> -> memref<8x64xf32, #tpu.memory_space<hbm>>
      tpu.wait_dma2 semaphore(%arg10 : memref<!tpu.dma_semaphore, #tpu.memory_space<semaphore_mem>>) src(%dma_wait3A_433 : memref<8x64xf32, #tpu.memory_space<hbm>>) dst(%dma_wait3A_429 : memref<8x64xf32, #tpu.memory_space<vmem>>)
      %dma_wait3A_434 = arith.constant 7 : i32
      %dma_wait3A_435 = arith.constant 0 : i32
      %dma_wait3A_436 = arith.constant 0 : i32
      %dma_wait3A_437 = tpu.memref_slice %arg7[%dma_wait3A_434, %dma_wait3A_435, %dma_wait3A_436] : memref<16x8x64xf32, #tpu.memory_space<vmem>> -> memref<1x8x64xf32, #tpu.memory_space<vmem>>
      %dma_wait3A_438 = tpu.memref_squeeze %dma_wait3A_437 : memref<1x8x64xf32, #tpu.memory_space<vmem>> -> memref<8x64xf32, #tpu.memory_space<vmem>>
      %dma_wait3A_439 = arith.constant 0 : i32
      %dma_wait3A_440 = arith.constant 0 : i32
      %dma_wait3A_441 = tpu.memref_slice %arg3[%squeeze3A_144, %dma_wait3A_439, %dma_wait3A_440] : memref<125000x8x64xf32, #tpu.memory_space<hbm>> -> memref<1x8x64xf32, #tpu.memory_space<hbm>>
      %dma_wait3A_442 = tpu.memref_squeeze %dma_wait3A_441 : memref<1x8x64xf32, #tpu.memory_space<hbm>> -> memref<8x64xf32, #tpu.memory_space<hbm>>
      %dma_wait3A_443 = arith.constant 0 : i32
      %dma_wait3A_444 = arith.constant 0 : i32
      %dma_wait3A_445 = tpu.memref_slice %arg7[%dma_wait3A_434, %dma_wait3A_443, %dma_wait3A_444] : memref<16x8x64xf32, #tpu.memory_space<vmem>> -> memref<1x8x64xf32, #tpu.memory_space<vmem>>
      %dma_wait3A_446 = tpu.memref_squeeze %dma_wait3A_445 : memref<1x8x64xf32, #tpu.memory_space<vmem>> -> memref<8x64xf32, #tpu.memory_space<vmem>>
      %dma_wait3A_447 = arith.constant 0 : i32
      %dma_wait3A_448 = arith.constant 0 : i32
      %dma_wait3A_449 = tpu.memref_slice %arg3[%squeeze3A_144, %dma_wait3A_447, %dma_wait3A_448] : memref<125000x8x64xf32, #tpu.memory_space<hbm>> -> memref<1x8x64xf32, #tpu.memory_space<hbm>>
      %dma_wait3A_450 = tpu.memref_squeeze %dma_wait3A_449 : memref<1x8x64xf32, #tpu.memory_space<hbm>> -> memref<8x64xf32, #tpu.memory_space<hbm>>
      tpu.wait_dma2 semaphore(%arg10 : memref<!tpu.dma_semaphore, #tpu.memory_space<semaphore_mem>>) src(%dma_wait3A_450 : memref<8x64xf32, #tpu.memory_space<hbm>>) dst(%dma_wait3A_446 : memref<8x64xf32, #tpu.memory_space<vmem>>)
      %dma_wait3A_451 = arith.constant 8 : i32
      %dma_wait3A_452 = arith.constant 0 : i32
      %dma_wait3A_453 = arith.constant 0 : i32
      %dma_wait3A_454 = tpu.memref_slice %arg7[%dma_wait3A_451, %dma_wait3A_452, %dma_wait3A_453] : memref<16x8x64xf32, #tpu.memory_space<vmem>> -> memref<1x8x64xf32, #tpu.memory_space<vmem>>
      %dma_wait3A_455 = tpu.memref_squeeze %dma_wait3A_454 : memref<1x8x64xf32, #tpu.memory_space<vmem>> -> memref<8x64xf32, #tpu.memory_space<vmem>>
      %dma_wait3A_456 = arith.constant 0 : i32
      %dma_wait3A_457 = arith.constant 0 : i32
      %dma_wait3A_458 = tpu.memref_slice %arg3[%squeeze3A_163, %dma_wait3A_456, %dma_wait3A_457] : memref<125000x8x64xf32, #tpu.memory_space<hbm>> -> memref<1x8x64xf32, #tpu.memory_space<hbm>>
      %dma_wait3A_459 = tpu.memref_squeeze %dma_wait3A_458 : memref<1x8x64xf32, #tpu.memory_space<hbm>> -> memref<8x64xf32, #tpu.memory_space<hbm>>
      %dma_wait3A_460 = arith.constant 0 : i32
      %dma_wait3A_461 = arith.constant 0 : i32
      %dma_wait3A_462 = tpu.memref_slice %arg7[%dma_wait3A_451, %dma_wait3A_460, %dma_wait3A_461] : memref<16x8x64xf32, #tpu.memory_space<vmem>> -> memref<1x8x64xf32, #tpu.memory_space<vmem>>
      %dma_wait3A_463 = tpu.memref_squeeze %dma_wait3A_462 : memref<1x8x64xf32, #tpu.memory_space<vmem>> -> memref<8x64xf32, #tpu.memory_space<vmem>>
      %dma_wait3A_464 = arith.constant 0 : i32
      %dma_wait3A_465 = arith.constant 0 : i32
      %dma_wait3A_466 = tpu.memref_slice %arg3[%squeeze3A_163, %dma_wait3A_464, %dma_wait3A_465] : memref<125000x8x64xf32, #tpu.memory_space<hbm>> -> memref<1x8x64xf32, #tpu.memory_space<hbm>>
      %dma_wait3A_467 = tpu.memref_squeeze %dma_wait3A_466 : memref<1x8x64xf32, #tpu.memory_space<hbm>> -> memref<8x64xf32, #tpu.memory_space<hbm>>
      tpu.wait_dma2 semaphore(%arg10 : memref<!tpu.dma_semaphore, #tpu.memory_space<semaphore_mem>>) src(%dma_wait3A_467 : memref<8x64xf32, #tpu.memory_space<hbm>>) dst(%dma_wait3A_463 : memref<8x64xf32, #tpu.memory_space<vmem>>)
      %dma_wait3A_468 = arith.constant 9 : i32
      %dma_wait3A_469 = arith.constant 0 : i32
      %dma_wait3A_470 = arith.constant 0 : i32
      %dma_wait3A_471 = tpu.memref_slice %arg7[%dma_wait3A_468, %dma_wait3A_469, %dma_wait3A_470] : memref<16x8x64xf32, #tpu.memory_space<vmem>> -> memref<1x8x64xf32, #tpu.memory_space<vmem>>
      %dma_wait3A_472 = tpu.memref_squeeze %dma_wait3A_471 : memref<1x8x64xf32, #tpu.memory_space<vmem>> -> memref<8x64xf32, #tpu.memory_space<vmem>>
      %dma_wait3A_473 = arith.constant 0 : i32
      %dma_wait3A_474 = arith.constant 0 : i32
      %dma_wait3A_475 = tpu.memref_slice %arg3[%squeeze3A_182, %dma_wait3A_473, %dma_wait3A_474] : memref<125000x8x64xf32, #tpu.memory_space<hbm>> -> memref<1x8x64xf32, #tpu.memory_space<hbm>>
      %dma_wait3A_476 = tpu.memref_squeeze %dma_wait3A_475 : memref<1x8x64xf32, #tpu.memory_space<hbm>> -> memref<8x64xf32, #tpu.memory_space<hbm>>
      %dma_wait3A_477 = arith.constant 0 : i32
      %dma_wait3A_478 = arith.constant 0 : i32
      %dma_wait3A_479 = tpu.memref_slice %arg7[%dma_wait3A_468, %dma_wait3A_477, %dma_wait3A_478] : memref<16x8x64xf32, #tpu.memory_space<vmem>> -> memref<1x8x64xf32, #tpu.memory_space<vmem>>
      %dma_wait3A_480 = tpu.memref_squeeze %dma_wait3A_479 : memref<1x8x64xf32, #tpu.memory_space<vmem>> -> memref<8x64xf32, #tpu.memory_space<vmem>>
      %dma_wait3A_481 = arith.constant 0 : i32
      %dma_wait3A_482 = arith.constant 0 : i32
      %dma_wait3A_483 = tpu.memref_slice %arg3[%squeeze3A_182, %dma_wait3A_481, %dma_wait3A_482] : memref<125000x8x64xf32, #tpu.memory_space<hbm>> -> memref<1x8x64xf32, #tpu.memory_space<hbm>>
      %dma_wait3A_484 = tpu.memref_squeeze %dma_wait3A_483 : memref<1x8x64xf32, #tpu.memory_space<hbm>> -> memref<8x64xf32, #tpu.memory_space<hbm>>
      tpu.wait_dma2 semaphore(%arg10 : memref<!tpu.dma_semaphore, #tpu.memory_space<semaphore_mem>>) src(%dma_wait3A_484 : memref<8x64xf32, #tpu.memory_space<hbm>>) dst(%dma_wait3A_480 : memref<8x64xf32, #tpu.memory_space<vmem>>)
      %dma_wait3A_485 = arith.constant 10 : i32
      %dma_wait3A_486 = arith.constant 0 : i32
      %dma_wait3A_487 = arith.constant 0 : i32
      %dma_wait3A_488 = tpu.memref_slice %arg7[%dma_wait3A_485, %dma_wait3A_486, %dma_wait3A_487] : memref<16x8x64xf32, #tpu.memory_space<vmem>> -> memref<1x8x64xf32, #tpu.memory_space<vmem>>
      %dma_wait3A_489 = tpu.memref_squeeze %dma_wait3A_488 : memref<1x8x64xf32, #tpu.memory_space<vmem>> -> memref<8x64xf32, #tpu.memory_space<vmem>>
      %dma_wait3A_490 = arith.constant 0 : i32
      %dma_wait3A_491 = arith.constant 0 : i32
      %dma_wait3A_492 = tpu.memref_slice %arg3[%squeeze3A_201, %dma_wait3A_490, %dma_wait3A_491] : memref<125000x8x64xf32, #tpu.memory_space<hbm>> -> memref<1x8x64xf32, #tpu.memory_space<hbm>>
      %dma_wait3A_493 = tpu.memref_squeeze %dma_wait3A_492 : memref<1x8x64xf32, #tpu.memory_space<hbm>> -> memref<8x64xf32, #tpu.memory_space<hbm>>
      %dma_wait3A_494 = arith.constant 0 : i32
      %dma_wait3A_495 = arith.constant 0 : i32
      %dma_wait3A_496 = tpu.memref_slice %arg7[%dma_wait3A_485, %dma_wait3A_494, %dma_wait3A_495] : memref<16x8x64xf32, #tpu.memory_space<vmem>> -> memref<1x8x64xf32, #tpu.memory_space<vmem>>
      %dma_wait3A_497 = tpu.memref_squeeze %dma_wait3A_496 : memref<1x8x64xf32, #tpu.memory_space<vmem>> -> memref<8x64xf32, #tpu.memory_space<vmem>>
      %dma_wait3A_498 = arith.constant 0 : i32
      %dma_wait3A_499 = arith.constant 0 : i32
      %dma_wait3A_500 = tpu.memref_slice %arg3[%squeeze3A_201, %dma_wait3A_498, %dma_wait3A_499] : memref<125000x8x64xf32, #tpu.memory_space<hbm>> -> memref<1x8x64xf32, #tpu.memory_space<hbm>>
      %dma_wait3A_501 = tpu.memref_squeeze %dma_wait3A_500 : memref<1x8x64xf32, #tpu.memory_space<hbm>> -> memref<8x64xf32, #tpu.memory_space<hbm>>
      tpu.wait_dma2 semaphore(%arg10 : memref<!tpu.dma_semaphore, #tpu.memory_space<semaphore_mem>>) src(%dma_wait3A_501 : memref<8x64xf32, #tpu.memory_space<hbm>>) dst(%dma_wait3A_497 : memref<8x64xf32, #tpu.memory_space<vmem>>)
      %dma_wait3A_502 = arith.constant 11 : i32
      %dma_wait3A_503 = arith.constant 0 : i32
      %dma_wait3A_504 = arith.constant 0 : i32
      %dma_wait3A_505 = tpu.memref_slice %arg7[%dma_wait3A_502, %dma_wait3A_503, %dma_wait3A_504] : memref<16x8x64xf32, #tpu.memory_space<vmem>> -> memref<1x8x64xf32, #tpu.memory_space<vmem>>
      %dma_wait3A_506 = tpu.memref_squeeze %dma_wait3A_505 : memref<1x8x64xf32, #tpu.memory_space<vmem>> -> memref<8x64xf32, #tpu.memory_space<vmem>>
      %dma_wait3A_507 = arith.constant 0 : i32
      %dma_wait3A_508 = arith.constant 0 : i32
      %dma_wait3A_509 = tpu.memref_slice %arg3[%squeeze3A_220, %dma_wait3A_507, %dma_wait3A_508] : memref<125000x8x64xf32, #tpu.memory_space<hbm>> -> memref<1x8x64xf32, #tpu.memory_space<hbm>>
      %dma_wait3A_510 = tpu.memref_squeeze %dma_wait3A_509 : memref<1x8x64xf32, #tpu.memory_space<hbm>> -> memref<8x64xf32, #tpu.memory_space<hbm>>
      %dma_wait3A_511 = arith.constant 0 : i32
      %dma_wait3A_512 = arith.constant 0 : i32
      %dma_wait3A_513 = tpu.memref_slice %arg7[%dma_wait3A_502, %dma_wait3A_511, %dma_wait3A_512] : memref<16x8x64xf32, #tpu.memory_space<vmem>> -> memref<1x8x64xf32, #tpu.memory_space<vmem>>
      %dma_wait3A_514 = tpu.memref_squeeze %dma_wait3A_513 : memref<1x8x64xf32, #tpu.memory_space<vmem>> -> memref<8x64xf32, #tpu.memory_space<vmem>>
      %dma_wait3A_515 = arith.constant 0 : i32
      %dma_wait3A_516 = arith.constant 0 : i32
      %dma_wait3A_517 = tpu.memref_slice %arg3[%squeeze3A_220, %dma_wait3A_515, %dma_wait3A_516] : memref<125000x8x64xf32, #tpu.memory_space<hbm>> -> memref<1x8x64xf32, #tpu.memory_space<hbm>>
      %dma_wait3A_518 = tpu.memref_squeeze %dma_wait3A_517 : memref<1x8x64xf32, #tpu.memory_space<hbm>> -> memref<8x64xf32, #tpu.memory_space<hbm>>
      tpu.wait_dma2 semaphore(%arg10 : memref<!tpu.dma_semaphore, #tpu.memory_space<semaphore_mem>>) src(%dma_wait3A_518 : memref<8x64xf32, #tpu.memory_space<hbm>>) dst(%dma_wait3A_514 : memref<8x64xf32, #tpu.memory_space<vmem>>)
      %dma_wait3A_519 = arith.constant 12 : i32
      %dma_wait3A_520 = arith.constant 0 : i32
      %dma_wait3A_521 = arith.constant 0 : i32
      %dma_wait3A_522 = tpu.memref_slice %arg7[%dma_wait3A_519, %dma_wait3A_520, %dma_wait3A_521] : memref<16x8x64xf32, #tpu.memory_space<vmem>> -> memref<1x8x64xf32, #tpu.memory_space<vmem>>
      %dma_wait3A_523 = tpu.memref_squeeze %dma_wait3A_522 : memref<1x8x64xf32, #tpu.memory_space<vmem>> -> memref<8x64xf32, #tpu.memory_space<vmem>>
      %dma_wait3A_524 = arith.constant 0 : i32
      %dma_wait3A_525 = arith.constant 0 : i32
      %dma_wait3A_526 = tpu.memref_slice %arg3[%squeeze3A_239, %dma_wait3A_524, %dma_wait3A_525] : memref<125000x8x64xf32, #tpu.memory_space<hbm>> -> memref<1x8x64xf32, #tpu.memory_space<hbm>>
      %dma_wait3A_527 = tpu.memref_squeeze %dma_wait3A_526 : memref<1x8x64xf32, #tpu.memory_space<hbm>> -> memref<8x64xf32, #tpu.memory_space<hbm>>
      %dma_wait3A_528 = arith.constant 0 : i32
      %dma_wait3A_529 = arith.constant 0 : i32
      %dma_wait3A_530 = tpu.memref_slice %arg7[%dma_wait3A_519, %dma_wait3A_528, %dma_wait3A_529] : memref<16x8x64xf32, #tpu.memory_space<vmem>> -> memref<1x8x64xf32, #tpu.memory_space<vmem>>
      %dma_wait3A_531 = tpu.memref_squeeze %dma_wait3A_530 : memref<1x8x64xf32, #tpu.memory_space<vmem>> -> memref<8x64xf32, #tpu.memory_space<vmem>>
      %dma_wait3A_532 = arith.constant 0 : i32
      %dma_wait3A_533 = arith.constant 0 : i32
      %dma_wait3A_534 = tpu.memref_slice %arg3[%squeeze3A_239, %dma_wait3A_532, %dma_wait3A_533] : memref<125000x8x64xf32, #tpu.memory_space<hbm>> -> memref<1x8x64xf32, #tpu.memory_space<hbm>>
      %dma_wait3A_535 = tpu.memref_squeeze %dma_wait3A_534 : memref<1x8x64xf32, #tpu.memory_space<hbm>> -> memref<8x64xf32, #tpu.memory_space<hbm>>
      tpu.wait_dma2 semaphore(%arg10 : memref<!tpu.dma_semaphore, #tpu.memory_space<semaphore_mem>>) src(%dma_wait3A_535 : memref<8x64xf32, #tpu.memory_space<hbm>>) dst(%dma_wait3A_531 : memref<8x64xf32, #tpu.memory_space<vmem>>)
      %dma_wait3A_536 = arith.constant 13 : i32
      %dma_wait3A_537 = arith.constant 0 : i32
      %dma_wait3A_538 = arith.constant 0 : i32
      %dma_wait3A_539 = tpu.memref_slice %arg7[%dma_wait3A_536, %dma_wait3A_537, %dma_wait3A_538] : memref<16x8x64xf32, #tpu.memory_space<vmem>> -> memref<1x8x64xf32, #tpu.memory_space<vmem>>
      %dma_wait3A_540 = tpu.memref_squeeze %dma_wait3A_539 : memref<1x8x64xf32, #tpu.memory_space<vmem>> -> memref<8x64xf32, #tpu.memory_space<vmem>>
      %dma_wait3A_541 = arith.constant 0 : i32
      %dma_wait3A_542 = arith.constant 0 : i32
      %dma_wait3A_543 = tpu.memref_slice %arg3[%squeeze3A_258, %dma_wait3A_541, %dma_wait3A_542] : memref<125000x8x64xf32, #tpu.memory_space<hbm>> -> memref<1x8x64xf32, #tpu.memory_space<hbm>>
      %dma_wait3A_544 = tpu.memref_squeeze %dma_wait3A_543 : memref<1x8x64xf32, #tpu.memory_space<hbm>> -> memref<8x64xf32, #tpu.memory_space<hbm>>
      %dma_wait3A_545 = arith.constant 0 : i32
      %dma_wait3A_546 = arith.constant 0 : i32
      %dma_wait3A_547 = tpu.memref_slice %arg7[%dma_wait3A_536, %dma_wait3A_545, %dma_wait3A_546] : memref<16x8x64xf32, #tpu.memory_space<vmem>> -> memref<1x8x64xf32, #tpu.memory_space<vmem>>
      %dma_wait3A_548 = tpu.memref_squeeze %dma_wait3A_547 : memref<1x8x64xf32, #tpu.memory_space<vmem>> -> memref<8x64xf32, #tpu.memory_space<vmem>>
      %dma_wait3A_549 = arith.constant 0 : i32
      %dma_wait3A_550 = arith.constant 0 : i32
      %dma_wait3A_551 = tpu.memref_slice %arg3[%squeeze3A_258, %dma_wait3A_549, %dma_wait3A_550] : memref<125000x8x64xf32, #tpu.memory_space<hbm>> -> memref<1x8x64xf32, #tpu.memory_space<hbm>>
      %dma_wait3A_552 = tpu.memref_squeeze %dma_wait3A_551 : memref<1x8x64xf32, #tpu.memory_space<hbm>> -> memref<8x64xf32, #tpu.memory_space<hbm>>
      tpu.wait_dma2 semaphore(%arg10 : memref<!tpu.dma_semaphore, #tpu.memory_space<semaphore_mem>>) src(%dma_wait3A_552 : memref<8x64xf32, #tpu.memory_space<hbm>>) dst(%dma_wait3A_548 : memref<8x64xf32, #tpu.memory_space<vmem>>)
      %dma_wait3A_553 = arith.constant 14 : i32
      %dma_wait3A_554 = arith.constant 0 : i32
      %dma_wait3A_555 = arith.constant 0 : i32
      %dma_wait3A_556 = tpu.memref_slice %arg7[%dma_wait3A_553, %dma_wait3A_554, %dma_wait3A_555] : memref<16x8x64xf32, #tpu.memory_space<vmem>> -> memref<1x8x64xf32, #tpu.memory_space<vmem>>
      %dma_wait3A_557 = tpu.memref_squeeze %dma_wait3A_556 : memref<1x8x64xf32, #tpu.memory_space<vmem>> -> memref<8x64xf32, #tpu.memory_space<vmem>>
      %dma_wait3A_558 = arith.constant 0 : i32
      %dma_wait3A_559 = arith.constant 0 : i32
      %dma_wait3A_560 = tpu.memref_slice %arg3[%squeeze3A_277, %dma_wait3A_558, %dma_wait3A_559] : memref<125000x8x64xf32, #tpu.memory_space<hbm>> -> memref<1x8x64xf32, #tpu.memory_space<hbm>>
      %dma_wait3A_561 = tpu.memref_squeeze %dma_wait3A_560 : memref<1x8x64xf32, #tpu.memory_space<hbm>> -> memref<8x64xf32, #tpu.memory_space<hbm>>
      %dma_wait3A_562 = arith.constant 0 : i32
      %dma_wait3A_563 = arith.constant 0 : i32
      %dma_wait3A_564 = tpu.memref_slice %arg7[%dma_wait3A_553, %dma_wait3A_562, %dma_wait3A_563] : memref<16x8x64xf32, #tpu.memory_space<vmem>> -> memref<1x8x64xf32, #tpu.memory_space<vmem>>
      %dma_wait3A_565 = tpu.memref_squeeze %dma_wait3A_564 : memref<1x8x64xf32, #tpu.memory_space<vmem>> -> memref<8x64xf32, #tpu.memory_space<vmem>>
      %dma_wait3A_566 = arith.constant 0 : i32
      %dma_wait3A_567 = arith.constant 0 : i32
      %dma_wait3A_568 = tpu.memref_slice %arg3[%squeeze3A_277, %dma_wait3A_566, %dma_wait3A_567] : memref<125000x8x64xf32, #tpu.memory_space<hbm>> -> memref<1x8x64xf32, #tpu.memory_space<hbm>>
      %dma_wait3A_569 = tpu.memref_squeeze %dma_wait3A_568 : memref<1x8x64xf32, #tpu.memory_space<hbm>> -> memref<8x64xf32, #tpu.memory_space<hbm>>
      tpu.wait_dma2 semaphore(%arg10 : memref<!tpu.dma_semaphore, #tpu.memory_space<semaphore_mem>>) src(%dma_wait3A_569 : memref<8x64xf32, #tpu.memory_space<hbm>>) dst(%dma_wait3A_565 : memref<8x64xf32, #tpu.memory_space<vmem>>)
      %dma_wait3A_570 = arith.constant 15 : i32
      %dma_wait3A_571 = arith.constant 0 : i32
      %dma_wait3A_572 = arith.constant 0 : i32
      %dma_wait3A_573 = tpu.memref_slice %arg7[%dma_wait3A_570, %dma_wait3A_571, %dma_wait3A_572] : memref<16x8x64xf32, #tpu.memory_space<vmem>> -> memref<1x8x64xf32, #tpu.memory_space<vmem>>
      %dma_wait3A_574 = tpu.memref_squeeze %dma_wait3A_573 : memref<1x8x64xf32, #tpu.memory_space<vmem>> -> memref<8x64xf32, #tpu.memory_space<vmem>>
      %dma_wait3A_575 = arith.constant 0 : i32
      %dma_wait3A_576 = arith.constant 0 : i32
      %dma_wait3A_577 = tpu.memref_slice %arg3[%squeeze3A_296, %dma_wait3A_575, %dma_wait3A_576] : memref<125000x8x64xf32, #tpu.memory_space<hbm>> -> memref<1x8x64xf32, #tpu.memory_space<hbm>>
      %dma_wait3A_578 = tpu.memref_squeeze %dma_wait3A_577 : memref<1x8x64xf32, #tpu.memory_space<hbm>> -> memref<8x64xf32, #tpu.memory_space<hbm>>
      %dma_wait3A_579 = arith.constant 0 : i32
      %dma_wait3A_580 = arith.constant 0 : i32
      %dma_wait3A_581 = tpu.memref_slice %arg7[%dma_wait3A_570, %dma_wait3A_579, %dma_wait3A_580] : memref<16x8x64xf32, #tpu.memory_space<vmem>> -> memref<1x8x64xf32, #tpu.memory_space<vmem>>
      %dma_wait3A_582 = tpu.memref_squeeze %dma_wait3A_581 : memref<1x8x64xf32, #tpu.memory_space<vmem>> -> memref<8x64xf32, #tpu.memory_space<vmem>>
      %dma_wait3A_583 = arith.constant 0 : i32
      %dma_wait3A_584 = arith.constant 0 : i32
      %dma_wait3A_585 = tpu.memref_slice %arg3[%squeeze3A_296, %dma_wait3A_583, %dma_wait3A_584] : memref<125000x8x64xf32, #tpu.memory_space<hbm>> -> memref<1x8x64xf32, #tpu.memory_space<hbm>>
      %dma_wait3A_586 = tpu.memref_squeeze %dma_wait3A_585 : memref<1x8x64xf32, #tpu.memory_space<hbm>> -> memref<8x64xf32, #tpu.memory_space<hbm>>
      tpu.wait_dma2 semaphore(%arg10 : memref<!tpu.dma_semaphore, #tpu.memory_space<semaphore_mem>>) src(%dma_wait3A_586 : memref<8x64xf32, #tpu.memory_space<hbm>>) dst(%dma_wait3A_582 : memref<8x64xf32, #tpu.memory_space<vmem>>)
      %get3A_587 = arith.constant 0 : index
      %get3A_588 = tpu.vector_load %arg8[%get3A_587] {strides = array<i32>} : memref<16xf32, #tpu.memory_space<vmem>>, vector<16xf32>,
      %get3A_589 = vector.shape_cast %get3A_588 : vector<16xf32> to vector<16xf32>
      %div3A = arith.constant 1.000000e+00 : f32
      %div3A_590 = vector.broadcast %div3A : f32 to vector<16xf32>
      %div3A_591 = arith.divf %div3A_590, %get3A_589 : vector<16xf32>
      %broadcast_in_dim3A = arith.constant 0.000000e+00 : f32
      %broadcast_in_dim3A_592 = vector.broadcast %broadcast_in_dim3A : f32 to vector<16xf32>
      %broadcast_in_dim3A_593 = arith.constant 0.000000e+00 : f32
      %broadcast_in_dim3A_594 = vector.broadcast %broadcast_in_dim3A_593 : f32 to vector<16xf32>
      %broadcast_in_dim3A_595 = arith.constant 0.000000e+00 : f32
      %broadcast_in_dim3A_596 = vector.broadcast %broadcast_in_dim3A_595 : f32 to vector<16xf32>
      %broadcast_in_dim3A_597 = arith.constant 0.000000e+00 : f32
      %broadcast_in_dim3A_598 = vector.broadcast %broadcast_in_dim3A_597 : f32 to vector<16xf32>
      %slice3A_599 = vector.extract_strided_slice %div3A_591 {offsets = [0], sizes = [1], strides = [1]} : vector<16xf32> to vector<1xf32>
      %squeeze3A_600 = vector.extract %slice3A_599[0] : f32 from vector<1xf32>
      %slice3A_601 = vector.extract_strided_slice %and3A_11 {offsets = [0], sizes = [1], strides = [1]} : vector<16xi32> to vector<1xi32>
      %squeeze3A_602 = vector.extract %slice3A_601[0] : i32 from vector<1xi32>
      %get3A_603 = arith.constant 0 : i32
      %get3A_604 = arith.index_cast %get3A_603 : i32 to index
      %get3A_605 = arith.index_cast %squeeze3A_602 : i32 to index
      %get3A_606 = arith.constant 0 : index
      %get3A_607 = tpu.vector_load %arg7[%get3A_604, %get3A_605, %get3A_606] {strides = array<i32>} : memref<16x8x64xf32, #tpu.memory_space<vmem>>, vector<1x1x16xf32>,
      %get3A_608 = vector.shape_cast %get3A_607 : vector<1x1x16xf32> to vector<16xf32>
      %mul3A_609 = vector.broadcast %squeeze3A_600 : f32 to vector<16xf32>
      %mul3A_610 = arith.mulf %mul3A_609, %get3A_608 : vector<16xf32>
      %add3A_611 = arith.addf %broadcast_in_dim3A_592, %mul3A_610 : vector<16xf32>
      %get3A_612 = arith.constant 0 : i32
      %get3A_613 = arith.index_cast %get3A_612 : i32 to index
      %get3A_614 = arith.index_cast %squeeze3A_602 : i32 to index
      %get3A_615 = arith.constant 16 : index
      %get3A_616 = tpu.vector_load %arg7[%get3A_613, %get3A_614, %get3A_615] {strides = array<i32>} : memref<16x8x64xf32, #tpu.memory_space<vmem>>, vector<1x1x16xf32>,
      %get3A_617 = vector.shape_cast %get3A_616 : vector<1x1x16xf32> to vector<16xf32>
      %mul3A_618 = vector.broadcast %squeeze3A_600 : f32 to vector<16xf32>
      %mul3A_619 = arith.mulf %mul3A_618, %get3A_617 : vector<16xf32>
      %add3A_620 = arith.addf %broadcast_in_dim3A_594, %mul3A_619 : vector<16xf32>
      %get3A_621 = arith.constant 0 : i32
      %get3A_622 = arith.index_cast %get3A_621 : i32 to index
      %get3A_623 = arith.index_cast %squeeze3A_602 : i32 to index
      %get3A_624 = arith.constant 32 : index
      %get3A_625 = tpu.vector_load %arg7[%get3A_622, %get3A_623, %get3A_624] {strides = array<i32>} : memref<16x8x64xf32, #tpu.memory_space<vmem>>, vector<1x1x16xf32>,
      %get3A_626 = vector.shape_cast %get3A_625 : vector<1x1x16xf32> to vector<16xf32>
      %mul3A_627 = vector.broadcast %squeeze3A_600 : f32 to vector<16xf32>
      %mul3A_628 = arith.mulf %mul3A_627, %get3A_626 : vector<16xf32>
      %add3A_629 = arith.addf %broadcast_in_dim3A_596, %mul3A_628 : vector<16xf32>
      %get3A_630 = arith.constant 0 : i32
      %get3A_631 = arith.index_cast %get3A_630 : i32 to index
      %get3A_632 = arith.index_cast %squeeze3A_602 : i32 to index
      %get3A_633 = arith.constant 48 : index
      %get3A_634 = tpu.vector_load %arg7[%get3A_631, %get3A_632, %get3A_633] {strides = array<i32>} : memref<16x8x64xf32, #tpu.memory_space<vmem>>, vector<1x1x16xf32>,
      %get3A_635 = vector.shape_cast %get3A_634 : vector<1x1x16xf32> to vector<16xf32>
      %mul3A_636 = vector.broadcast %squeeze3A_600 : f32 to vector<16xf32>
      %mul3A_637 = arith.mulf %mul3A_636, %get3A_635 : vector<16xf32>
      %add3A_638 = arith.addf %broadcast_in_dim3A_598, %mul3A_637 : vector<16xf32>
      %slice3A_639 = vector.extract_strided_slice %div3A_591 {offsets = [1], sizes = [1], strides = [1]} : vector<16xf32> to vector<1xf32>
      %squeeze3A_640 = vector.extract %slice3A_639[0] : f32 from vector<1xf32>
      %slice3A_641 = vector.extract_strided_slice %and3A_11 {offsets = [1], sizes = [1], strides = [1]} : vector<16xi32> to vector<1xi32>
      %squeeze3A_642 = vector.extract %slice3A_641[0] : i32 from vector<1xi32>
      %get3A_643 = arith.constant 1 : i32
      %get3A_644 = arith.index_cast %get3A_643 : i32 to index
      %get3A_645 = arith.index_cast %squeeze3A_642 : i32 to index
      %get3A_646 = arith.constant 0 : index
      %get3A_647 = tpu.vector_load %arg7[%get3A_644, %get3A_645, %get3A_646] {strides = array<i32>} : memref<16x8x64xf32, #tpu.memory_space<vmem>>, vector<1x1x16xf32>,
      %get3A_648 = vector.shape_cast %get3A_647 : vector<1x1x16xf32> to vector<16xf32>
      %mul3A_649 = vector.broadcast %squeeze3A_640 : f32 to vector<16xf32>
      %mul3A_650 = arith.mulf %mul3A_649, %get3A_648 : vector<16xf32>
      %add3A_651 = arith.addf %add3A_611, %mul3A_650 : vector<16xf32>
      %get3A_652 = arith.constant 1 : i32
      %get3A_653 = arith.index_cast %get3A_652 : i32 to index
      %get3A_654 = arith.index_cast %squeeze3A_642 : i32 to index
      %get3A_655 = arith.constant 16 : index
      %get3A_656 = tpu.vector_load %arg7[%get3A_653, %get3A_654, %get3A_655] {strides = array<i32>} : memref<16x8x64xf32, #tpu.memory_space<vmem>>, vector<1x1x16xf32>,
      %get3A_657 = vector.shape_cast %get3A_656 : vector<1x1x16xf32> to vector<16xf32>
      %mul3A_658 = vector.broadcast %squeeze3A_640 : f32 to vector<16xf32>
      %mul3A_659 = arith.mulf %mul3A_658, %get3A_657 : vector<16xf32>
      %add3A_660 = arith.addf %add3A_620, %mul3A_659 : vector<16xf32>
      %get3A_661 = arith.constant 1 : i32
      %get3A_662 = arith.index_cast %get3A_661 : i32 to index
      %get3A_663 = arith.index_cast %squeeze3A_642 : i32 to index
      %get3A_664 = arith.constant 32 : index
      %get3A_665 = tpu.vector_load %arg7[%get3A_662, %get3A_663, %get3A_664] {strides = array<i32>} : memref<16x8x64xf32, #tpu.memory_space<vmem>>, vector<1x1x16xf32>,
      %get3A_666 = vector.shape_cast %get3A_665 : vector<1x1x16xf32> to vector<16xf32>
      %mul3A_667 = vector.broadcast %squeeze3A_640 : f32 to vector<16xf32>
      %mul3A_668 = arith.mulf %mul3A_667, %get3A_666 : vector<16xf32>
      %add3A_669 = arith.addf %add3A_629, %mul3A_668 : vector<16xf32>
      %get3A_670 = arith.constant 1 : i32
      %get3A_671 = arith.index_cast %get3A_670 : i32 to index
      %get3A_672 = arith.index_cast %squeeze3A_642 : i32 to index
      %get3A_673 = arith.constant 48 : index
      %get3A_674 = tpu.vector_load %arg7[%get3A_671, %get3A_672, %get3A_673] {strides = array<i32>} : memref<16x8x64xf32, #tpu.memory_space<vmem>>, vector<1x1x16xf32>,
      %get3A_675 = vector.shape_cast %get3A_674 : vector<1x1x16xf32> to vector<16xf32>
      %mul3A_676 = vector.broadcast %squeeze3A_640 : f32 to vector<16xf32>
      %mul3A_677 = arith.mulf %mul3A_676, %get3A_675 : vector<16xf32>
      %add3A_678 = arith.addf %add3A_638, %mul3A_677 : vector<16xf32>
      %slice3A_679 = vector.extract_strided_slice %div3A_591 {offsets = [2], sizes = [1], strides = [1]} : vector<16xf32> to vector<1xf32>
      %squeeze3A_680 = vector.extract %slice3A_679[0] : f32 from vector<1xf32>
      %slice3A_681 = vector.extract_strided_slice %and3A_11 {offsets = [2], sizes = [1], strides = [1]} : vector<16xi32> to vector<1xi32>
      %squeeze3A_682 = vector.extract %slice3A_681[0] : i32 from vector<1xi32>
      %get3A_683 = arith.constant 2 : i32
      %get3A_684 = arith.index_cast %get3A_683 : i32 to index
      %get3A_685 = arith.index_cast %squeeze3A_682 : i32 to index
      %get3A_686 = arith.constant 0 : index
      %get3A_687 = tpu.vector_load %arg7[%get3A_684, %get3A_685, %get3A_686] {strides = array<i32>} : memref<16x8x64xf32, #tpu.memory_space<vmem>>, vector<1x1x16xf32>,
      %get3A_688 = vector.shape_cast %get3A_687 : vector<1x1x16xf32> to vector<16xf32>
      %mul3A_689 = vector.broadcast %squeeze3A_680 : f32 to vector<16xf32>
      %mul3A_690 = arith.mulf %mul3A_689, %get3A_688 : vector<16xf32>
      %add3A_691 = arith.addf %add3A_651, %mul3A_690 : vector<16xf32>
      %get3A_692 = arith.constant 2 : i32
      %get3A_693 = arith.index_cast %get3A_692 : i32 to index
      %get3A_694 = arith.index_cast %squeeze3A_682 : i32 to index
      %get3A_695 = arith.constant 16 : index
      %get3A_696 = tpu.vector_load %arg7[%get3A_693, %get3A_694, %get3A_695] {strides = array<i32>} : memref<16x8x64xf32, #tpu.memory_space<vmem>>, vector<1x1x16xf32>,
      %get3A_697 = vector.shape_cast %get3A_696 : vector<1x1x16xf32> to vector<16xf32>
      %mul3A_698 = vector.broadcast %squeeze3A_680 : f32 to vector<16xf32>
      %mul3A_699 = arith.mulf %mul3A_698, %get3A_697 : vector<16xf32>
      %add3A_700 = arith.addf %add3A_660, %mul3A_699 : vector<16xf32>
      %get3A_701 = arith.constant 2 : i32
      %get3A_702 = arith.index_cast %get3A_701 : i32 to index
      %get3A_703 = arith.index_cast %squeeze3A_682 : i32 to index
      %get3A_704 = arith.constant 32 : index
      %get3A_705 = tpu.vector_load %arg7[%get3A_702, %get3A_703, %get3A_704] {strides = array<i32>} : memref<16x8x64xf32, #tpu.memory_space<vmem>>, vector<1x1x16xf32>,
      %get3A_706 = vector.shape_cast %get3A_705 : vector<1x1x16xf32> to vector<16xf32>
      %mul3A_707 = vector.broadcast %squeeze3A_680 : f32 to vector<16xf32>
      %mul3A_708 = arith.mulf %mul3A_707, %get3A_706 : vector<16xf32>
      %add3A_709 = arith.addf %add3A_669, %mul3A_708 : vector<16xf32>
      %get3A_710 = arith.constant 2 : i32
      %get3A_711 = arith.index_cast %get3A_710 : i32 to index
      %get3A_712 = arith.index_cast %squeeze3A_682 : i32 to index
      %get3A_713 = arith.constant 48 : index
      %get3A_714 = tpu.vector_load %arg7[%get3A_711, %get3A_712, %get3A_713] {strides = array<i32>} : memref<16x8x64xf32, #tpu.memory_space<vmem>>, vector<1x1x16xf32>,
      %get3A_715 = vector.shape_cast %get3A_714 : vector<1x1x16xf32> to vector<16xf32>
      %mul3A_716 = vector.broadcast %squeeze3A_680 : f32 to vector<16xf32>
      %mul3A_717 = arith.mulf %mul3A_716, %get3A_715 : vector<16xf32>
      %add3A_718 = arith.addf %add3A_678, %mul3A_717 : vector<16xf32>
      %slice3A_719 = vector.extract_strided_slice %div3A_591 {offsets = [3], sizes = [1], strides = [1]} : vector<16xf32> to vector<1xf32>
      %squeeze3A_720 = vector.extract %slice3A_719[0] : f32 from vector<1xf32>
      %slice3A_721 = vector.extract_strided_slice %and3A_11 {offsets = [3], sizes = [1], strides = [1]} : vector<16xi32> to vector<1xi32>
      %squeeze3A_722 = vector.extract %slice3A_721[0] : i32 from vector<1xi32>
      %get3A_723 = arith.constant 3 : i32
      %get3A_724 = arith.index_cast %get3A_723 : i32 to index
      %get3A_725 = arith.index_cast %squeeze3A_722 : i32 to index
      %get3A_726 = arith.constant 0 : index
      %get3A_727 = tpu.vector_load %arg7[%get3A_724, %get3A_725, %get3A_726] {strides = array<i32>} : memref<16x8x64xf32, #tpu.memory_space<vmem>>, vector<1x1x16xf32>,
      %get3A_728 = vector.shape_cast %get3A_727 : vector<1x1x16xf32> to vector<16xf32>
      %mul3A_729 = vector.broadcast %squeeze3A_720 : f32 to vector<16xf32>
      %mul3A_730 = arith.mulf %mul3A_729, %get3A_728 : vector<16xf32>
      %add3A_731 = arith.addf %add3A_691, %mul3A_730 : vector<16xf32>
      %get3A_732 = arith.constant 3 : i32
      %get3A_733 = arith.index_cast %get3A_732 : i32 to index
      %get3A_734 = arith.index_cast %squeeze3A_722 : i32 to index
      %get3A_735 = arith.constant 16 : index
      %get3A_736 = tpu.vector_load %arg7[%get3A_733, %get3A_734, %get3A_735] {strides = array<i32>} : memref<16x8x64xf32, #tpu.memory_space<vmem>>, vector<1x1x16xf32>,
      %get3A_737 = vector.shape_cast %get3A_736 : vector<1x1x16xf32> to vector<16xf32>
      %mul3A_738 = vector.broadcast %squeeze3A_720 : f32 to vector<16xf32>
      %mul3A_739 = arith.mulf %mul3A_738, %get3A_737 : vector<16xf32>
      %add3A_740 = arith.addf %add3A_700, %mul3A_739 : vector<16xf32>
      %get3A_741 = arith.constant 3 : i32
      %get3A_742 = arith.index_cast %get3A_741 : i32 to index
      %get3A_743 = arith.index_cast %squeeze3A_722 : i32 to index
      %get3A_744 = arith.constant 32 : index
      %get3A_745 = tpu.vector_load %arg7[%get3A_742, %get3A_743, %get3A_744] {strides = array<i32>} : memref<16x8x64xf32, #tpu.memory_space<vmem>>, vector<1x1x16xf32>,
      %get3A_746 = vector.shape_cast %get3A_745 : vector<1x1x16xf32> to vector<16xf32>
      %mul3A_747 = vector.broadcast %squeeze3A_720 : f32 to vector<16xf32>
      %mul3A_748 = arith.mulf %mul3A_747, %get3A_746 : vector<16xf32>
      %add3A_749 = arith.addf %add3A_709, %mul3A_748 : vector<16xf32>
      %get3A_750 = arith.constant 3 : i32
      %get3A_751 = arith.index_cast %get3A_750 : i32 to index
      %get3A_752 = arith.index_cast %squeeze3A_722 : i32 to index
      %get3A_753 = arith.constant 48 : index
      %get3A_754 = tpu.vector_load %arg7[%get3A_751, %get3A_752, %get3A_753] {strides = array<i32>} : memref<16x8x64xf32, #tpu.memory_space<vmem>>, vector<1x1x16xf32>,
      %get3A_755 = vector.shape_cast %get3A_754 : vector<1x1x16xf32> to vector<16xf32>
      %mul3A_756 = vector.broadcast %squeeze3A_720 : f32 to vector<16xf32>
      %mul3A_757 = arith.mulf %mul3A_756, %get3A_755 : vector<16xf32>
      %add3A_758 = arith.addf %add3A_718, %mul3A_757 : vector<16xf32>
      %slice3A_759 = vector.extract_strided_slice %div3A_591 {offsets = [4], sizes = [1], strides = [1]} : vector<16xf32> to vector<1xf32>
      %squeeze3A_760 = vector.extract %slice3A_759[0] : f32 from vector<1xf32>
      %slice3A_761 = vector.extract_strided_slice %and3A_11 {offsets = [4], sizes = [1], strides = [1]} : vector<16xi32> to vector<1xi32>
      %squeeze3A_762 = vector.extract %slice3A_761[0] : i32 from vector<1xi32>
      %get3A_763 = arith.constant 4 : i32
      %get3A_764 = arith.index_cast %get3A_763 : i32 to index
      %get3A_765 = arith.index_cast %squeeze3A_762 : i32 to index
      %get3A_766 = arith.constant 0 : index
      %get3A_767 = tpu.vector_load %arg7[%get3A_764, %get3A_765, %get3A_766] {strides = array<i32>} : memref<16x8x64xf32, #tpu.memory_space<vmem>>, vector<1x1x16xf32>,
      %get3A_768 = vector.shape_cast %get3A_767 : vector<1x1x16xf32> to vector<16xf32>
      %mul3A_769 = vector.broadcast %squeeze3A_760 : f32 to vector<16xf32>
      %mul3A_770 = arith.mulf %mul3A_769, %get3A_768 : vector<16xf32>
      %add3A_771 = arith.addf %add3A_731, %mul3A_770 : vector<16xf32>
      %get3A_772 = arith.constant 4 : i32
      %get3A_773 = arith.index_cast %get3A_772 : i32 to index
      %get3A_774 = arith.index_cast %squeeze3A_762 : i32 to index
      %get3A_775 = arith.constant 16 : index
      %get3A_776 = tpu.vector_load %arg7[%get3A_773, %get3A_774, %get3A_775] {strides = array<i32>} : memref<16x8x64xf32, #tpu.memory_space<vmem>>, vector<1x1x16xf32>,
      %get3A_777 = vector.shape_cast %get3A_776 : vector<1x1x16xf32> to vector<16xf32>
      %mul3A_778 = vector.broadcast %squeeze3A_760 : f32 to vector<16xf32>
      %mul3A_779 = arith.mulf %mul3A_778, %get3A_777 : vector<16xf32>
      %add3A_780 = arith.addf %add3A_740, %mul3A_779 : vector<16xf32>
      %get3A_781 = arith.constant 4 : i32
      %get3A_782 = arith.index_cast %get3A_781 : i32 to index
      %get3A_783 = arith.index_cast %squeeze3A_762 : i32 to index
      %get3A_784 = arith.constant 32 : index
      %get3A_785 = tpu.vector_load %arg7[%get3A_782, %get3A_783, %get3A_784] {strides = array<i32>} : memref<16x8x64xf32, #tpu.memory_space<vmem>>, vector<1x1x16xf32>,
      %get3A_786 = vector.shape_cast %get3A_785 : vector<1x1x16xf32> to vector<16xf32>
      %mul3A_787 = vector.broadcast %squeeze3A_760 : f32 to vector<16xf32>
      %mul3A_788 = arith.mulf %mul3A_787, %get3A_786 : vector<16xf32>
      %add3A_789 = arith.addf %add3A_749, %mul3A_788 : vector<16xf32>
      %get3A_790 = arith.constant 4 : i32
      %get3A_791 = arith.index_cast %get3A_790 : i32 to index
      %get3A_792 = arith.index_cast %squeeze3A_762 : i32 to index
      %get3A_793 = arith.constant 48 : index
      %get3A_794 = tpu.vector_load %arg7[%get3A_791, %get3A_792, %get3A_793] {strides = array<i32>} : memref<16x8x64xf32, #tpu.memory_space<vmem>>, vector<1x1x16xf32>,
      %get3A_795 = vector.shape_cast %get3A_794 : vector<1x1x16xf32> to vector<16xf32>
      %mul3A_796 = vector.broadcast %squeeze3A_760 : f32 to vector<16xf32>
      %mul3A_797 = arith.mulf %mul3A_796, %get3A_795 : vector<16xf32>
      %add3A_798 = arith.addf %add3A_758, %mul3A_797 : vector<16xf32>
      %slice3A_799 = vector.extract_strided_slice %div3A_591 {offsets = [5], sizes = [1], strides = [1]} : vector<16xf32> to vector<1xf32>
      %squeeze3A_800 = vector.extract %slice3A_799[0] : f32 from vector<1xf32>
      %slice3A_801 = vector.extract_strided_slice %and3A_11 {offsets = [5], sizes = [1], strides = [1]} : vector<16xi32> to vector<1xi32>
      %squeeze3A_802 = vector.extract %slice3A_801[0] : i32 from vector<1xi32>
      %get3A_803 = arith.constant 5 : i32
      %get3A_804 = arith.index_cast %get3A_803 : i32 to index
      %get3A_805 = arith.index_cast %squeeze3A_802 : i32 to index
      %get3A_806 = arith.constant 0 : index
      %get3A_807 = tpu.vector_load %arg7[%get3A_804, %get3A_805, %get3A_806] {strides = array<i32>} : memref<16x8x64xf32, #tpu.memory_space<vmem>>, vector<1x1x16xf32>,
      %get3A_808 = vector.shape_cast %get3A_807 : vector<1x1x16xf32> to vector<16xf32>
      %mul3A_809 = vector.broadcast %squeeze3A_800 : f32 to vector<16xf32>
      %mul3A_810 = arith.mulf %mul3A_809, %get3A_808 : vector<16xf32>
      %add3A_811 = arith.addf %add3A_771, %mul3A_810 : vector<16xf32>
      %get3A_812 = arith.constant 5 : i32
      %get3A_813 = arith.index_cast %get3A_812 : i32 to index
      %get3A_814 = arith.index_cast %squeeze3A_802 : i32 to index
      %get3A_815 = arith.constant 16 : index
      %get3A_816 = tpu.vector_load %arg7[%get3A_813, %get3A_814, %get3A_815] {strides = array<i32>} : memref<16x8x64xf32, #tpu.memory_space<vmem>>, vector<1x1x16xf32>,
      %get3A_817 = vector.shape_cast %get3A_816 : vector<1x1x16xf32> to vector<16xf32>
      %mul3A_818 = vector.broadcast %squeeze3A_800 : f32 to vector<16xf32>
      %mul3A_819 = arith.mulf %mul3A_818, %get3A_817 : vector<16xf32>
      %add3A_820 = arith.addf %add3A_780, %mul3A_819 : vector<16xf32>
      %get3A_821 = arith.constant 5 : i32
      %get3A_822 = arith.index_cast %get3A_821 : i32 to index
      %get3A_823 = arith.index_cast %squeeze3A_802 : i32 to index
      %get3A_824 = arith.constant 32 : index
      %get3A_825 = tpu.vector_load %arg7[%get3A_822, %get3A_823, %get3A_824] {strides = array<i32>} : memref<16x8x64xf32, #tpu.memory_space<vmem>>, vector<1x1x16xf32>,
      %get3A_826 = vector.shape_cast %get3A_825 : vector<1x1x16xf32> to vector<16xf32>
      %mul3A_827 = vector.broadcast %squeeze3A_800 : f32 to vector<16xf32>
      %mul3A_828 = arith.mulf %mul3A_827, %get3A_826 : vector<16xf32>
      %add3A_829 = arith.addf %add3A_789, %mul3A_828 : vector<16xf32>
      %get3A_830 = arith.constant 5 : i32
      %get3A_831 = arith.index_cast %get3A_830 : i32 to index
      %get3A_832 = arith.index_cast %squeeze3A_802 : i32 to index
      %get3A_833 = arith.constant 48 : index
      %get3A_834 = tpu.vector_load %arg7[%get3A_831, %get3A_832, %get3A_833] {strides = array<i32>} : memref<16x8x64xf32, #tpu.memory_space<vmem>>, vector<1x1x16xf32>,
      %get3A_835 = vector.shape_cast %get3A_834 : vector<1x1x16xf32> to vector<16xf32>
      %mul3A_836 = vector.broadcast %squeeze3A_800 : f32 to vector<16xf32>
      %mul3A_837 = arith.mulf %mul3A_836, %get3A_835 : vector<16xf32>
      %add3A_838 = arith.addf %add3A_798, %mul3A_837 : vector<16xf32>
      %slice3A_839 = vector.extract_strided_slice %div3A_591 {offsets = [6], sizes = [1], strides = [1]} : vector<16xf32> to vector<1xf32>
      %squeeze3A_840 = vector.extract %slice3A_839[0] : f32 from vector<1xf32>
      %slice3A_841 = vector.extract_strided_slice %and3A_11 {offsets = [6], sizes = [1], strides = [1]} : vector<16xi32> to vector<1xi32>
      %squeeze3A_842 = vector.extract %slice3A_841[0] : i32 from vector<1xi32>
      %get3A_843 = arith.constant 6 : i32
      %get3A_844 = arith.index_cast %get3A_843 : i32 to index
      %get3A_845 = arith.index_cast %squeeze3A_842 : i32 to index
      %get3A_846 = arith.constant 0 : index
      %get3A_847 = tpu.vector_load %arg7[%get3A_844, %get3A_845, %get3A_846] {strides = array<i32>} : memref<16x8x64xf32, #tpu.memory_space<vmem>>, vector<1x1x16xf32>,
      %get3A_848 = vector.shape_cast %get3A_847 : vector<1x1x16xf32> to vector<16xf32>
      %mul3A_849 = vector.broadcast %squeeze3A_840 : f32 to vector<16xf32>
      %mul3A_850 = arith.mulf %mul3A_849, %get3A_848 : vector<16xf32>
      %add3A_851 = arith.addf %add3A_811, %mul3A_850 : vector<16xf32>
      %get3A_852 = arith.constant 6 : i32
      %get3A_853 = arith.index_cast %get3A_852 : i32 to index
      %get3A_854 = arith.index_cast %squeeze3A_842 : i32 to index
      %get3A_855 = arith.constant 16 : index
      %get3A_856 = tpu.vector_load %arg7[%get3A_853, %get3A_854, %get3A_855] {strides = array<i32>} : memref<16x8x64xf32, #tpu.memory_space<vmem>>, vector<1x1x16xf32>,
      %get3A_857 = vector.shape_cast %get3A_856 : vector<1x1x16xf32> to vector<16xf32>
      %mul3A_858 = vector.broadcast %squeeze3A_840 : f32 to vector<16xf32>
      %mul3A_859 = arith.mulf %mul3A_858, %get3A_857 : vector<16xf32>
      %add3A_860 = arith.addf %add3A_820, %mul3A_859 : vector<16xf32>
      %get3A_861 = arith.constant 6 : i32
      %get3A_862 = arith.index_cast %get3A_861 : i32 to index
      %get3A_863 = arith.index_cast %squeeze3A_842 : i32 to index
      %get3A_864 = arith.constant 32 : index
      %get3A_865 = tpu.vector_load %arg7[%get3A_862, %get3A_863, %get3A_864] {strides = array<i32>} : memref<16x8x64xf32, #tpu.memory_space<vmem>>, vector<1x1x16xf32>,
      %get3A_866 = vector.shape_cast %get3A_865 : vector<1x1x16xf32> to vector<16xf32>
      %mul3A_867 = vector.broadcast %squeeze3A_840 : f32 to vector<16xf32>
      %mul3A_868 = arith.mulf %mul3A_867, %get3A_866 : vector<16xf32>
      %add3A_869 = arith.addf %add3A_829, %mul3A_868 : vector<16xf32>
      %get3A_870 = arith.constant 6 : i32
      %get3A_871 = arith.index_cast %get3A_870 : i32 to index
      %get3A_872 = arith.index_cast %squeeze3A_842 : i32 to index
      %get3A_873 = arith.constant 48 : index
      %get3A_874 = tpu.vector_load %arg7[%get3A_871, %get3A_872, %get3A_873] {strides = array<i32>} : memref<16x8x64xf32, #tpu.memory_space<vmem>>, vector<1x1x16xf32>,
      %get3A_875 = vector.shape_cast %get3A_874 : vector<1x1x16xf32> to vector<16xf32>
      %mul3A_876 = vector.broadcast %squeeze3A_840 : f32 to vector<16xf32>
      %mul3A_877 = arith.mulf %mul3A_876, %get3A_875 : vector<16xf32>
      %add3A_878 = arith.addf %add3A_838, %mul3A_877 : vector<16xf32>
      %slice3A_879 = vector.extract_strided_slice %div3A_591 {offsets = [7], sizes = [1], strides = [1]} : vector<16xf32> to vector<1xf32>
      %squeeze3A_880 = vector.extract %slice3A_879[0] : f32 from vector<1xf32>
      %slice3A_881 = vector.extract_strided_slice %and3A_11 {offsets = [7], sizes = [1], strides = [1]} : vector<16xi32> to vector<1xi32>
      %squeeze3A_882 = vector.extract %slice3A_881[0] : i32 from vector<1xi32>
      %get3A_883 = arith.constant 7 : i32
      %get3A_884 = arith.index_cast %get3A_883 : i32 to index
      %get3A_885 = arith.index_cast %squeeze3A_882 : i32 to index
      %get3A_886 = arith.constant 0 : index
      %get3A_887 = tpu.vector_load %arg7[%get3A_884, %get3A_885, %get3A_886] {strides = array<i32>} : memref<16x8x64xf32, #tpu.memory_space<vmem>>, vector<1x1x16xf32>,
      %get3A_888 = vector.shape_cast %get3A_887 : vector<1x1x16xf32> to vector<16xf32>
      %mul3A_889 = vector.broadcast %squeeze3A_880 : f32 to vector<16xf32>
      %mul3A_890 = arith.mulf %mul3A_889, %get3A_888 : vector<16xf32>
      %add3A_891 = arith.addf %add3A_851, %mul3A_890 : vector<16xf32>
      %get3A_892 = arith.constant 7 : i32
      %get3A_893 = arith.index_cast %get3A_892 : i32 to index
      %get3A_894 = arith.index_cast %squeeze3A_882 : i32 to index
      %get3A_895 = arith.constant 16 : index
      %get3A_896 = tpu.vector_load %arg7[%get3A_893, %get3A_894, %get3A_895] {strides = array<i32>} : memref<16x8x64xf32, #tpu.memory_space<vmem>>, vector<1x1x16xf32>,
      %get3A_897 = vector.shape_cast %get3A_896 : vector<1x1x16xf32> to vector<16xf32>
      %mul3A_898 = vector.broadcast %squeeze3A_880 : f32 to vector<16xf32>
      %mul3A_899 = arith.mulf %mul3A_898, %get3A_897 : vector<16xf32>
      %add3A_900 = arith.addf %add3A_860, %mul3A_899 : vector<16xf32>
      %get3A_901 = arith.constant 7 : i32
      %get3A_902 = arith.index_cast %get3A_901 : i32 to index
      %get3A_903 = arith.index_cast %squeeze3A_882 : i32 to index
      %get3A_904 = arith.constant 32 : index
      %get3A_905 = tpu.vector_load %arg7[%get3A_902, %get3A_903, %get3A_904] {strides = array<i32>} : memref<16x8x64xf32, #tpu.memory_space<vmem>>, vector<1x1x16xf32>,
      %get3A_906 = vector.shape_cast %get3A_905 : vector<1x1x16xf32> to vector<16xf32>
      %mul3A_907 = vector.broadcast %squeeze3A_880 : f32 to vector<16xf32>
      %mul3A_908 = arith.mulf %mul3A_907, %get3A_906 : vector<16xf32>
      %add3A_909 = arith.addf %add3A_869, %mul3A_908 : vector<16xf32>
      %get3A_910 = arith.constant 7 : i32
      %get3A_911 = arith.index_cast %get3A_910 : i32 to index
      %get3A_912 = arith.index_cast %squeeze3A_882 : i32 to index
      %get3A_913 = arith.constant 48 : index
      %get3A_914 = tpu.vector_load %arg7[%get3A_911, %get3A_912, %get3A_913] {strides = array<i32>} : memref<16x8x64xf32, #tpu.memory_space<vmem>>, vector<1x1x16xf32>,
      %get3A_915 = vector.shape_cast %get3A_914 : vector<1x1x16xf32> to vector<16xf32>
      %mul3A_916 = vector.broadcast %squeeze3A_880 : f32 to vector<16xf32>
      %mul3A_917 = arith.mulf %mul3A_916, %get3A_915 : vector<16xf32>
      %add3A_918 = arith.addf %add3A_878, %mul3A_917 : vector<16xf32>
      %slice3A_919 = vector.extract_strided_slice %div3A_591 {offsets = [8], sizes = [1], strides = [1]} : vector<16xf32> to vector<1xf32>
      %squeeze3A_920 = vector.extract %slice3A_919[0] : f32 from vector<1xf32>
      %slice3A_921 = vector.extract_strided_slice %and3A_11 {offsets = [8], sizes = [1], strides = [1]} : vector<16xi32> to vector<1xi32>
      %squeeze3A_922 = vector.extract %slice3A_921[0] : i32 from vector<1xi32>
      %get3A_923 = arith.constant 8 : i32
      %get3A_924 = arith.index_cast %get3A_923 : i32 to index
      %get3A_925 = arith.index_cast %squeeze3A_922 : i32 to index
      %get3A_926 = arith.constant 0 : index
      %get3A_927 = tpu.vector_load %arg7[%get3A_924, %get3A_925, %get3A_926] {strides = array<i32>} : memref<16x8x64xf32, #tpu.memory_space<vmem>>, vector<1x1x16xf32>,
      %get3A_928 = vector.shape_cast %get3A_927 : vector<1x1x16xf32> to vector<16xf32>
      %mul3A_929 = vector.broadcast %squeeze3A_920 : f32 to vector<16xf32>
      %mul3A_930 = arith.mulf %mul3A_929, %get3A_928 : vector<16xf32>
      %add3A_931 = arith.addf %add3A_891, %mul3A_930 : vector<16xf32>
      %get3A_932 = arith.constant 8 : i32
      %get3A_933 = arith.index_cast %get3A_932 : i32 to index
      %get3A_934 = arith.index_cast %squeeze3A_922 : i32 to index
      %get3A_935 = arith.constant 16 : index
      %get3A_936 = tpu.vector_load %arg7[%get3A_933, %get3A_934, %get3A_935] {strides = array<i32>} : memref<16x8x64xf32, #tpu.memory_space<vmem>>, vector<1x1x16xf32>,
      %get3A_937 = vector.shape_cast %get3A_936 : vector<1x1x16xf32> to vector<16xf32>
      %mul3A_938 = vector.broadcast %squeeze3A_920 : f32 to vector<16xf32>
      %mul3A_939 = arith.mulf %mul3A_938, %get3A_937 : vector<16xf32>
      %add3A_940 = arith.addf %add3A_900, %mul3A_939 : vector<16xf32>
      %get3A_941 = arith.constant 8 : i32
      %get3A_942 = arith.index_cast %get3A_941 : i32 to index
      %get3A_943 = arith.index_cast %squeeze3A_922 : i32 to index
      %get3A_944 = arith.constant 32 : index
      %get3A_945 = tpu.vector_load %arg7[%get3A_942, %get3A_943, %get3A_944] {strides = array<i32>} : memref<16x8x64xf32, #tpu.memory_space<vmem>>, vector<1x1x16xf32>,
      %get3A_946 = vector.shape_cast %get3A_945 : vector<1x1x16xf32> to vector<16xf32>
      %mul3A_947 = vector.broadcast %squeeze3A_920 : f32 to vector<16xf32>
      %mul3A_948 = arith.mulf %mul3A_947, %get3A_946 : vector<16xf32>
      %add3A_949 = arith.addf %add3A_909, %mul3A_948 : vector<16xf32>
      %get3A_950 = arith.constant 8 : i32
      %get3A_951 = arith.index_cast %get3A_950 : i32 to index
      %get3A_952 = arith.index_cast %squeeze3A_922 : i32 to index
      %get3A_953 = arith.constant 48 : index
      %get3A_954 = tpu.vector_load %arg7[%get3A_951, %get3A_952, %get3A_953] {strides = array<i32>} : memref<16x8x64xf32, #tpu.memory_space<vmem>>, vector<1x1x16xf32>,
      %get3A_955 = vector.shape_cast %get3A_954 : vector<1x1x16xf32> to vector<16xf32>
      %mul3A_956 = vector.broadcast %squeeze3A_920 : f32 to vector<16xf32>
      %mul3A_957 = arith.mulf %mul3A_956, %get3A_955 : vector<16xf32>
      %add3A_958 = arith.addf %add3A_918, %mul3A_957 : vector<16xf32>
      %slice3A_959 = vector.extract_strided_slice %div3A_591 {offsets = [9], sizes = [1], strides = [1]} : vector<16xf32> to vector<1xf32>
      %squeeze3A_960 = vector.extract %slice3A_959[0] : f32 from vector<1xf32>
      %slice3A_961 = vector.extract_strided_slice %and3A_11 {offsets = [9], sizes = [1], strides = [1]} : vector<16xi32> to vector<1xi32>
      %squeeze3A_962 = vector.extract %slice3A_961[0] : i32 from vector<1xi32>
      %get3A_963 = arith.constant 9 : i32
      %get3A_964 = arith.index_cast %get3A_963 : i32 to index
      %get3A_965 = arith.index_cast %squeeze3A_962 : i32 to index
      %get3A_966 = arith.constant 0 : index
      %get3A_967 = tpu.vector_load %arg7[%get3A_964, %get3A_965, %get3A_966] {strides = array<i32>} : memref<16x8x64xf32, #tpu.memory_space<vmem>>, vector<1x1x16xf32>,
      %get3A_968 = vector.shape_cast %get3A_967 : vector<1x1x16xf32> to vector<16xf32>
      %mul3A_969 = vector.broadcast %squeeze3A_960 : f32 to vector<16xf32>
      %mul3A_970 = arith.mulf %mul3A_969, %get3A_968 : vector<16xf32>
      %add3A_971 = arith.addf %add3A_931, %mul3A_970 : vector<16xf32>
      %get3A_972 = arith.constant 9 : i32
      %get3A_973 = arith.index_cast %get3A_972 : i32 to index
      %get3A_974 = arith.index_cast %squeeze3A_962 : i32 to index
      %get3A_975 = arith.constant 16 : index
      %get3A_976 = tpu.vector_load %arg7[%get3A_973, %get3A_974, %get3A_975] {strides = array<i32>} : memref<16x8x64xf32, #tpu.memory_space<vmem>>, vector<1x1x16xf32>,
      %get3A_977 = vector.shape_cast %get3A_976 : vector<1x1x16xf32> to vector<16xf32>
      %mul3A_978 = vector.broadcast %squeeze3A_960 : f32 to vector<16xf32>
      %mul3A_979 = arith.mulf %mul3A_978, %get3A_977 : vector<16xf32>
      %add3A_980 = arith.addf %add3A_940, %mul3A_979 : vector<16xf32>
      %get3A_981 = arith.constant 9 : i32
      %get3A_982 = arith.index_cast %get3A_981 : i32 to index
      %get3A_983 = arith.index_cast %squeeze3A_962 : i32 to index
      %get3A_984 = arith.constant 32 : index
      %get3A_985 = tpu.vector_load %arg7[%get3A_982, %get3A_983, %get3A_984] {strides = array<i32>} : memref<16x8x64xf32, #tpu.memory_space<vmem>>, vector<1x1x16xf32>,
      %get3A_986 = vector.shape_cast %get3A_985 : vector<1x1x16xf32> to vector<16xf32>
      %mul3A_987 = vector.broadcast %squeeze3A_960 : f32 to vector<16xf32>
      %mul3A_988 = arith.mulf %mul3A_987, %get3A_986 : vector<16xf32>
      %add3A_989 = arith.addf %add3A_949, %mul3A_988 : vector<16xf32>
      %get3A_990 = arith.constant 9 : i32
      %get3A_991 = arith.index_cast %get3A_990 : i32 to index
      %get3A_992 = arith.index_cast %squeeze3A_962 : i32 to index
      %get3A_993 = arith.constant 48 : index
      %get3A_994 = tpu.vector_load %arg7[%get3A_991, %get3A_992, %get3A_993] {strides = array<i32>} : memref<16x8x64xf32, #tpu.memory_space<vmem>>, vector<1x1x16xf32>,
      %get3A_995 = vector.shape_cast %get3A_994 : vector<1x1x16xf32> to vector<16xf32>
      %mul3A_996 = vector.broadcast %squeeze3A_960 : f32 to vector<16xf32>
      %mul3A_997 = arith.mulf %mul3A_996, %get3A_995 : vector<16xf32>
      %add3A_998 = arith.addf %add3A_958, %mul3A_997 : vector<16xf32>
      %slice3A_999 = vector.extract_strided_slice %div3A_591 {offsets = [10], sizes = [1], strides = [1]} : vector<16xf32> to vector<1xf32>
      %squeeze3A_1000 = vector.extract %slice3A_999[0] : f32 from vector<1xf32>
      %slice3A_1001 = vector.extract_strided_slice %and3A_11 {offsets = [10], sizes = [1], strides = [1]} : vector<16xi32> to vector<1xi32>
      %squeeze3A_1002 = vector.extract %slice3A_1001[0] : i32 from vector<1xi32>
      %get3A_1003 = arith.constant 10 : i32
      %get3A_1004 = arith.index_cast %get3A_1003 : i32 to index
      %get3A_1005 = arith.index_cast %squeeze3A_1002 : i32 to index
      %get3A_1006 = arith.constant 0 : index
      %get3A_1007 = tpu.vector_load %arg7[%get3A_1004, %get3A_1005, %get3A_1006] {strides = array<i32>} : memref<16x8x64xf32, #tpu.memory_space<vmem>>, vector<1x1x16xf32>,
      %get3A_1008 = vector.shape_cast %get3A_1007 : vector<1x1x16xf32> to vector<16xf32>
      %mul3A_1009 = vector.broadcast %squeeze3A_1000 : f32 to vector<16xf32>
      %mul3A_1010 = arith.mulf %mul3A_1009, %get3A_1008 : vector<16xf32>
      %add3A_1011 = arith.addf %add3A_971, %mul3A_1010 : vector<16xf32>
      %get3A_1012 = arith.constant 10 : i32
      %get3A_1013 = arith.index_cast %get3A_1012 : i32 to index
      %get3A_1014 = arith.index_cast %squeeze3A_1002 : i32 to index
      %get3A_1015 = arith.constant 16 : index
      %get3A_1016 = tpu.vector_load %arg7[%get3A_1013, %get3A_1014, %get3A_1015] {strides = array<i32>} : memref<16x8x64xf32, #tpu.memory_space<vmem>>, vector<1x1x16xf32>,
      %get3A_1017 = vector.shape_cast %get3A_1016 : vector<1x1x16xf32> to vector<16xf32>
      %mul3A_1018 = vector.broadcast %squeeze3A_1000 : f32 to vector<16xf32>
      %mul3A_1019 = arith.mulf %mul3A_1018, %get3A_1017 : vector<16xf32>
      %add3A_1020 = arith.addf %add3A_980, %mul3A_1019 : vector<16xf32>
      %get3A_1021 = arith.constant 10 : i32
      %get3A_1022 = arith.index_cast %get3A_1021 : i32 to index
      %get3A_1023 = arith.index_cast %squeeze3A_1002 : i32 to index
      %get3A_1024 = arith.constant 32 : index
      %get3A_1025 = tpu.vector_load %arg7[%get3A_1022, %get3A_1023, %get3A_1024] {strides = array<i32>} : memref<16x8x64xf32, #tpu.memory_space<vmem>>, vector<1x1x16xf32>,
      %get3A_1026 = vector.shape_cast %get3A_1025 : vector<1x1x16xf32> to vector<16xf32>
      %mul3A_1027 = vector.broadcast %squeeze3A_1000 : f32 to vector<16xf32>
      %mul3A_1028 = arith.mulf %mul3A_1027, %get3A_1026 : vector<16xf32>
      %add3A_1029 = arith.addf %add3A_989, %mul3A_1028 : vector<16xf32>
      %get3A_1030 = arith.constant 10 : i32
      %get3A_1031 = arith.index_cast %get3A_1030 : i32 to index
      %get3A_1032 = arith.index_cast %squeeze3A_1002 : i32 to index
      %get3A_1033 = arith.constant 48 : index
      %get3A_1034 = tpu.vector_load %arg7[%get3A_1031, %get3A_1032, %get3A_1033] {strides = array<i32>} : memref<16x8x64xf32, #tpu.memory_space<vmem>>, vector<1x1x16xf32>,
      %get3A_1035 = vector.shape_cast %get3A_1034 : vector<1x1x16xf32> to vector<16xf32>
      %mul3A_1036 = vector.broadcast %squeeze3A_1000 : f32 to vector<16xf32>
      %mul3A_1037 = arith.mulf %mul3A_1036, %get3A_1035 : vector<16xf32>
      %add3A_1038 = arith.addf %add3A_998, %mul3A_1037 : vector<16xf32>
      %slice3A_1039 = vector.extract_strided_slice %div3A_591 {offsets = [11], sizes = [1], strides = [1]} : vector<16xf32> to vector<1xf32>
      %squeeze3A_1040 = vector.extract %slice3A_1039[0] : f32 from vector<1xf32>
      %slice3A_1041 = vector.extract_strided_slice %and3A_11 {offsets = [11], sizes = [1], strides = [1]} : vector<16xi32> to vector<1xi32>
      %squeeze3A_1042 = vector.extract %slice3A_1041[0] : i32 from vector<1xi32>
      %get3A_1043 = arith.constant 11 : i32
      %get3A_1044 = arith.index_cast %get3A_1043 : i32 to index
      %get3A_1045 = arith.index_cast %squeeze3A_1042 : i32 to index
      %get3A_1046 = arith.constant 0 : index
      %get3A_1047 = tpu.vector_load %arg7[%get3A_1044, %get3A_1045, %get3A_1046] {strides = array<i32>} : memref<16x8x64xf32, #tpu.memory_space<vmem>>, vector<1x1x16xf32>,
      %get3A_1048 = vector.shape_cast %get3A_1047 : vector<1x1x16xf32> to vector<16xf32>
      %mul3A_1049 = vector.broadcast %squeeze3A_1040 : f32 to vector<16xf32>
      %mul3A_1050 = arith.mulf %mul3A_1049, %get3A_1048 : vector<16xf32>
      %add3A_1051 = arith.addf %add3A_1011, %mul3A_1050 : vector<16xf32>
      %get3A_1052 = arith.constant 11 : i32
      %get3A_1053 = arith.index_cast %get3A_1052 : i32 to index
      %get3A_1054 = arith.index_cast %squeeze3A_1042 : i32 to index
      %get3A_1055 = arith.constant 16 : index
      %get3A_1056 = tpu.vector_load %arg7[%get3A_1053, %get3A_1054, %get3A_1055] {strides = array<i32>} : memref<16x8x64xf32, #tpu.memory_space<vmem>>, vector<1x1x16xf32>,
      %get3A_1057 = vector.shape_cast %get3A_1056 : vector<1x1x16xf32> to vector<16xf32>
      %mul3A_1058 = vector.broadcast %squeeze3A_1040 : f32 to vector<16xf32>
      %mul3A_1059 = arith.mulf %mul3A_1058, %get3A_1057 : vector<16xf32>
      %add3A_1060 = arith.addf %add3A_1020, %mul3A_1059 : vector<16xf32>
      %get3A_1061 = arith.constant 11 : i32
      %get3A_1062 = arith.index_cast %get3A_1061 : i32 to index
      %get3A_1063 = arith.index_cast %squeeze3A_1042 : i32 to index
      %get3A_1064 = arith.constant 32 : index
      %get3A_1065 = tpu.vector_load %arg7[%get3A_1062, %get3A_1063, %get3A_1064] {strides = array<i32>} : memref<16x8x64xf32, #tpu.memory_space<vmem>>, vector<1x1x16xf32>,
      %get3A_1066 = vector.shape_cast %get3A_1065 : vector<1x1x16xf32> to vector<16xf32>
      %mul3A_1067 = vector.broadcast %squeeze3A_1040 : f32 to vector<16xf32>
      %mul3A_1068 = arith.mulf %mul3A_1067, %get3A_1066 : vector<16xf32>
      %add3A_1069 = arith.addf %add3A_1029, %mul3A_1068 : vector<16xf32>
      %get3A_1070 = arith.constant 11 : i32
      %get3A_1071 = arith.index_cast %get3A_1070 : i32 to index
      %get3A_1072 = arith.index_cast %squeeze3A_1042 : i32 to index
      %get3A_1073 = arith.constant 48 : index
      %get3A_1074 = tpu.vector_load %arg7[%get3A_1071, %get3A_1072, %get3A_1073] {strides = array<i32>} : memref<16x8x64xf32, #tpu.memory_space<vmem>>, vector<1x1x16xf32>,
      %get3A_1075 = vector.shape_cast %get3A_1074 : vector<1x1x16xf32> to vector<16xf32>
      %mul3A_1076 = vector.broadcast %squeeze3A_1040 : f32 to vector<16xf32>
      %mul3A_1077 = arith.mulf %mul3A_1076, %get3A_1075 : vector<16xf32>
      %add3A_1078 = arith.addf %add3A_1038, %mul3A_1077 : vector<16xf32>
      %slice3A_1079 = vector.extract_strided_slice %div3A_591 {offsets = [12], sizes = [1], strides = [1]} : vector<16xf32> to vector<1xf32>
      %squeeze3A_1080 = vector.extract %slice3A_1079[0] : f32 from vector<1xf32>
      %slice3A_1081 = vector.extract_strided_slice %and3A_11 {offsets = [12], sizes = [1], strides = [1]} : vector<16xi32> to vector<1xi32>
      %squeeze3A_1082 = vector.extract %slice3A_1081[0] : i32 from vector<1xi32>
      %get3A_1083 = arith.constant 12 : i32
      %get3A_1084 = arith.index_cast %get3A_1083 : i32 to index
      %get3A_1085 = arith.index_cast %squeeze3A_1082 : i32 to index
      %get3A_1086 = arith.constant 0 : index
      %get3A_1087 = tpu.vector_load %arg7[%get3A_1084, %get3A_1085, %get3A_1086] {strides = array<i32>} : memref<16x8x64xf32, #tpu.memory_space<vmem>>, vector<1x1x16xf32>,
      %get3A_1088 = vector.shape_cast %get3A_1087 : vector<1x1x16xf32> to vector<16xf32>
      %mul3A_1089 = vector.broadcast %squeeze3A_1080 : f32 to vector<16xf32>
      %mul3A_1090 = arith.mulf %mul3A_1089, %get3A_1088 : vector<16xf32>
      %add3A_1091 = arith.addf %add3A_1051, %mul3A_1090 : vector<16xf32>
      %get3A_1092 = arith.constant 12 : i32
      %get3A_1093 = arith.index_cast %get3A_1092 : i32 to index
      %get3A_1094 = arith.index_cast %squeeze3A_1082 : i32 to index
      %get3A_1095 = arith.constant 16 : index
      %get3A_1096 = tpu.vector_load %arg7[%get3A_1093, %get3A_1094, %get3A_1095] {strides = array<i32>} : memref<16x8x64xf32, #tpu.memory_space<vmem>>, vector<1x1x16xf32>,
      %get3A_1097 = vector.shape_cast %get3A_1096 : vector<1x1x16xf32> to vector<16xf32>
      %mul3A_1098 = vector.broadcast %squeeze3A_1080 : f32 to vector<16xf32>
      %mul3A_1099 = arith.mulf %mul3A_1098, %get3A_1097 : vector<16xf32>
      %add3A_1100 = arith.addf %add3A_1060, %mul3A_1099 : vector<16xf32>
      %get3A_1101 = arith.constant 12 : i32
      %get3A_1102 = arith.index_cast %get3A_1101 : i32 to index
      %get3A_1103 = arith.index_cast %squeeze3A_1082 : i32 to index
      %get3A_1104 = arith.constant 32 : index
      %get3A_1105 = tpu.vector_load %arg7[%get3A_1102, %get3A_1103, %get3A_1104] {strides = array<i32>} : memref<16x8x64xf32, #tpu.memory_space<vmem>>, vector<1x1x16xf32>,
      %get3A_1106 = vector.shape_cast %get3A_1105 : vector<1x1x16xf32> to vector<16xf32>
      %mul3A_1107 = vector.broadcast %squeeze3A_1080 : f32 to vector<16xf32>
      %mul3A_1108 = arith.mulf %mul3A_1107, %get3A_1106 : vector<16xf32>
      %add3A_1109 = arith.addf %add3A_1069, %mul3A_1108 : vector<16xf32>
      %get3A_1110 = arith.constant 12 : i32
      %get3A_1111 = arith.index_cast %get3A_1110 : i32 to index
      %get3A_1112 = arith.index_cast %squeeze3A_1082 : i32 to index
      %get3A_1113 = arith.constant 48 : index
      %get3A_1114 = tpu.vector_load %arg7[%get3A_1111, %get3A_1112, %get3A_1113] {strides = array<i32>} : memref<16x8x64xf32, #tpu.memory_space<vmem>>, vector<1x1x16xf32>,
      %get3A_1115 = vector.shape_cast %get3A_1114 : vector<1x1x16xf32> to vector<16xf32>
      %mul3A_1116 = vector.broadcast %squeeze3A_1080 : f32 to vector<16xf32>
      %mul3A_1117 = arith.mulf %mul3A_1116, %get3A_1115 : vector<16xf32>
      %add3A_1118 = arith.addf %add3A_1078, %mul3A_1117 : vector<16xf32>
      %slice3A_1119 = vector.extract_strided_slice %div3A_591 {offsets = [13], sizes = [1], strides = [1]} : vector<16xf32> to vector<1xf32>
      %squeeze3A_1120 = vector.extract %slice3A_1119[0] : f32 from vector<1xf32>
      %slice3A_1121 = vector.extract_strided_slice %and3A_11 {offsets = [13], sizes = [1], strides = [1]} : vector<16xi32> to vector<1xi32>
      %squeeze3A_1122 = vector.extract %slice3A_1121[0] : i32 from vector<1xi32>
      %get3A_1123 = arith.constant 13 : i32
      %get3A_1124 = arith.index_cast %get3A_1123 : i32 to index
      %get3A_1125 = arith.index_cast %squeeze3A_1122 : i32 to index
      %get3A_1126 = arith.constant 0 : index
      %get3A_1127 = tpu.vector_load %arg7[%get3A_1124, %get3A_1125, %get3A_1126] {strides = array<i32>} : memref<16x8x64xf32, #tpu.memory_space<vmem>>, vector<1x1x16xf32>,
      %get3A_1128 = vector.shape_cast %get3A_1127 : vector<1x1x16xf32> to vector<16xf32>
      %mul3A_1129 = vector.broadcast %squeeze3A_1120 : f32 to vector<16xf32>
      %mul3A_1130 = arith.mulf %mul3A_1129, %get3A_1128 : vector<16xf32>
      %add3A_1131 = arith.addf %add3A_1091, %mul3A_1130 : vector<16xf32>
      %get3A_1132 = arith.constant 13 : i32
      %get3A_1133 = arith.index_cast %get3A_1132 : i32 to index
      %get3A_1134 = arith.index_cast %squeeze3A_1122 : i32 to index
      %get3A_1135 = arith.constant 16 : index
      %get3A_1136 = tpu.vector_load %arg7[%get3A_1133, %get3A_1134, %get3A_1135] {strides = array<i32>} : memref<16x8x64xf32, #tpu.memory_space<vmem>>, vector<1x1x16xf32>,
      %get3A_1137 = vector.shape_cast %get3A_1136 : vector<1x1x16xf32> to vector<16xf32>
      %mul3A_1138 = vector.broadcast %squeeze3A_1120 : f32 to vector<16xf32>
      %mul3A_1139 = arith.mulf %mul3A_1138, %get3A_1137 : vector<16xf32>
      %add3A_1140 = arith.addf %add3A_1100, %mul3A_1139 : vector<16xf32>
      %get3A_1141 = arith.constant 13 : i32
      %get3A_1142 = arith.index_cast %get3A_1141 : i32 to index
      %get3A_1143 = arith.index_cast %squeeze3A_1122 : i32 to index
      %get3A_1144 = arith.constant 32 : index
      %get3A_1145 = tpu.vector_load %arg7[%get3A_1142, %get3A_1143, %get3A_1144] {strides = array<i32>} : memref<16x8x64xf32, #tpu.memory_space<vmem>>, vector<1x1x16xf32>,
      %get3A_1146 = vector.shape_cast %get3A_1145 : vector<1x1x16xf32> to vector<16xf32>
      %mul3A_1147 = vector.broadcast %squeeze3A_1120 : f32 to vector<16xf32>
      %mul3A_1148 = arith.mulf %mul3A_1147, %get3A_1146 : vector<16xf32>
      %add3A_1149 = arith.addf %add3A_1109, %mul3A_1148 : vector<16xf32>
      %get3A_1150 = arith.constant 13 : i32
      %get3A_1151 = arith.index_cast %get3A_1150 : i32 to index
      %get3A_1152 = arith.index_cast %squeeze3A_1122 : i32 to index
      %get3A_1153 = arith.constant 48 : index
      %get3A_1154 = tpu.vector_load %arg7[%get3A_1151, %get3A_1152, %get3A_1153] {strides = array<i32>} : memref<16x8x64xf32, #tpu.memory_space<vmem>>, vector<1x1x16xf32>,
      %get3A_1155 = vector.shape_cast %get3A_1154 : vector<1x1x16xf32> to vector<16xf32>
      %mul3A_1156 = vector.broadcast %squeeze3A_1120 : f32 to vector<16xf32>
      %mul3A_1157 = arith.mulf %mul3A_1156, %get3A_1155 : vector<16xf32>
      %add3A_1158 = arith.addf %add3A_1118, %mul3A_1157 : vector<16xf32>
      %slice3A_1159 = vector.extract_strided_slice %div3A_591 {offsets = [14], sizes = [1], strides = [1]} : vector<16xf32> to vector<1xf32>
      %squeeze3A_1160 = vector.extract %slice3A_1159[0] : f32 from vector<1xf32>
      %slice3A_1161 = vector.extract_strided_slice %and3A_11 {offsets = [14], sizes = [1], strides = [1]} : vector<16xi32> to vector<1xi32>
      %squeeze3A_1162 = vector.extract %slice3A_1161[0] : i32 from vector<1xi32>
      %get3A_1163 = arith.constant 14 : i32
      %get3A_1164 = arith.index_cast %get3A_1163 : i32 to index
      %get3A_1165 = arith.index_cast %squeeze3A_1162 : i32 to index
      %get3A_1166 = arith.constant 0 : index
      %get3A_1167 = tpu.vector_load %arg7[%get3A_1164, %get3A_1165, %get3A_1166] {strides = array<i32>} : memref<16x8x64xf32, #tpu.memory_space<vmem>>, vector<1x1x16xf32>,
      %get3A_1168 = vector.shape_cast %get3A_1167 : vector<1x1x16xf32> to vector<16xf32>
      %mul3A_1169 = vector.broadcast %squeeze3A_1160 : f32 to vector<16xf32>
      %mul3A_1170 = arith.mulf %mul3A_1169, %get3A_1168 : vector<16xf32>
      %add3A_1171 = arith.addf %add3A_1131, %mul3A_1170 : vector<16xf32>
      %get3A_1172 = arith.constant 14 : i32
      %get3A_1173 = arith.index_cast %get3A_1172 : i32 to index
      %get3A_1174 = arith.index_cast %squeeze3A_1162 : i32 to index
      %get3A_1175 = arith.constant 16 : index
      %get3A_1176 = tpu.vector_load %arg7[%get3A_1173, %get3A_1174, %get3A_1175] {strides = array<i32>} : memref<16x8x64xf32, #tpu.memory_space<vmem>>, vector<1x1x16xf32>,
      %get3A_1177 = vector.shape_cast %get3A_1176 : vector<1x1x16xf32> to vector<16xf32>
      %mul3A_1178 = vector.broadcast %squeeze3A_1160 : f32 to vector<16xf32>
      %mul3A_1179 = arith.mulf %mul3A_1178, %get3A_1177 : vector<16xf32>
      %add3A_1180 = arith.addf %add3A_1140, %mul3A_1179 : vector<16xf32>
      %get3A_1181 = arith.constant 14 : i32
      %get3A_1182 = arith.index_cast %get3A_1181 : i32 to index
      %get3A_1183 = arith.index_cast %squeeze3A_1162 : i32 to index
      %get3A_1184 = arith.constant 32 : index
      %get3A_1185 = tpu.vector_load %arg7[%get3A_1182, %get3A_1183, %get3A_1184] {strides = array<i32>} : memref<16x8x64xf32, #tpu.memory_space<vmem>>, vector<1x1x16xf32>,
      %get3A_1186 = vector.shape_cast %get3A_1185 : vector<1x1x16xf32> to vector<16xf32>
      %mul3A_1187 = vector.broadcast %squeeze3A_1160 : f32 to vector<16xf32>
      %mul3A_1188 = arith.mulf %mul3A_1187, %get3A_1186 : vector<16xf32>
      %add3A_1189 = arith.addf %add3A_1149, %mul3A_1188 : vector<16xf32>
      %get3A_1190 = arith.constant 14 : i32
      %get3A_1191 = arith.index_cast %get3A_1190 : i32 to index
      %get3A_1192 = arith.index_cast %squeeze3A_1162 : i32 to index
      %get3A_1193 = arith.constant 48 : index
      %get3A_1194 = tpu.vector_load %arg7[%get3A_1191, %get3A_1192, %get3A_1193] {strides = array<i32>} : memref<16x8x64xf32, #tpu.memory_space<vmem>>, vector<1x1x16xf32>,
      %get3A_1195 = vector.shape_cast %get3A_1194 : vector<1x1x16xf32> to vector<16xf32>
      %mul3A_1196 = vector.broadcast %squeeze3A_1160 : f32 to vector<16xf32>
      %mul3A_1197 = arith.mulf %mul3A_1196, %get3A_1195 : vector<16xf32>
      %add3A_1198 = arith.addf %add3A_1158, %mul3A_1197 : vector<16xf32>
      %slice3A_1199 = vector.extract_strided_slice %div3A_591 {offsets = [15], sizes = [1], strides = [1]} : vector<16xf32> to vector<1xf32>
      %squeeze3A_1200 = vector.extract %slice3A_1199[0] : f32 from vector<1xf32>
      %slice3A_1201 = vector.extract_strided_slice %and3A_11 {offsets = [15], sizes = [1], strides = [1]} : vector<16xi32> to vector<1xi32>
      %squeeze3A_1202 = vector.extract %slice3A_1201[0] : i32 from vector<1xi32>
      %get3A_1203 = arith.constant 15 : i32
      %get3A_1204 = arith.index_cast %get3A_1203 : i32 to index
      %get3A_1205 = arith.index_cast %squeeze3A_1202 : i32 to index
      %get3A_1206 = arith.constant 0 : index
      %get3A_1207 = tpu.vector_load %arg7[%get3A_1204, %get3A_1205, %get3A_1206] {strides = array<i32>} : memref<16x8x64xf32, #tpu.memory_space<vmem>>, vector<1x1x16xf32>,
      %get3A_1208 = vector.shape_cast %get3A_1207 : vector<1x1x16xf32> to vector<16xf32>
      %mul3A_1209 = vector.broadcast %squeeze3A_1200 : f32 to vector<16xf32>
      %mul3A_1210 = arith.mulf %mul3A_1209, %get3A_1208 : vector<16xf32>
      %add3A_1211 = arith.addf %add3A_1171, %mul3A_1210 : vector<16xf32>
      %get3A_1212 = arith.constant 15 : i32
      %get3A_1213 = arith.index_cast %get3A_1212 : i32 to index
      %get3A_1214 = arith.index_cast %squeeze3A_1202 : i32 to index
      %get3A_1215 = arith.constant 16 : index
      %get3A_1216 = tpu.vector_load %arg7[%get3A_1213, %get3A_1214, %get3A_1215] {strides = array<i32>} : memref<16x8x64xf32, #tpu.memory_space<vmem>>, vector<1x1x16xf32>,
      %get3A_1217 = vector.shape_cast %get3A_1216 : vector<1x1x16xf32> to vector<16xf32>
      %mul3A_1218 = vector.broadcast %squeeze3A_1200 : f32 to vector<16xf32>
      %mul3A_1219 = arith.mulf %mul3A_1218, %get3A_1217 : vector<16xf32>
      %add3A_1220 = arith.addf %add3A_1180, %mul3A_1219 : vector<16xf32>
      %get3A_1221 = arith.constant 15 : i32
      %get3A_1222 = arith.index_cast %get3A_1221 : i32 to index
      %get3A_1223 = arith.index_cast %squeeze3A_1202 : i32 to index
      %get3A_1224 = arith.constant 32 : index
      %get3A_1225 = tpu.vector_load %arg7[%get3A_1222, %get3A_1223, %get3A_1224] {strides = array<i32>} : memref<16x8x64xf32, #tpu.memory_space<vmem>>, vector<1x1x16xf32>,
      %get3A_1226 = vector.shape_cast %get3A_1225 : vector<1x1x16xf32> to vector<16xf32>
      %mul3A_1227 = vector.broadcast %squeeze3A_1200 : f32 to vector<16xf32>
      %mul3A_1228 = arith.mulf %mul3A_1227, %get3A_1226 : vector<16xf32>
      %add3A_1229 = arith.addf %add3A_1189, %mul3A_1228 : vector<16xf32>
      %get3A_1230 = arith.constant 15 : i32
      %get3A_1231 = arith.index_cast %get3A_1230 : i32 to index
      %get3A_1232 = arith.index_cast %squeeze3A_1202 : i32 to index
      %get3A_1233 = arith.constant 48 : index
      %get3A_1234 = tpu.vector_load %arg7[%get3A_1231, %get3A_1232, %get3A_1233] {strides = array<i32>} : memref<16x8x64xf32, #tpu.memory_space<vmem>>, vector<1x1x16xf32>,
      %get3A_1235 = vector.shape_cast %get3A_1234 : vector<1x1x16xf32> to vector<16xf32>
      %mul3A_1236 = vector.broadcast %squeeze3A_1200 : f32 to vector<16xf32>
      %mul3A_1237 = arith.mulf %mul3A_1236, %get3A_1235 : vector<16xf32>
      %add3A_1238 = arith.addf %add3A_1198, %mul3A_1237 : vector<16xf32>
      %swap3A = arith.constant 0 : index
      %swap3A_1239 = tpu.vector_load %arg9[%swap3A] {strides = array<i32>} : memref<64xf32, #tpu.memory_space<vmem>>, vector<16xf32>,
      %swap3A_1240 = vector.shape_cast %swap3A_1239 : vector<16xf32> to vector<16xf32>
      %swap3A_1241 = vector.shape_cast %add3A_1211 : vector<16xf32> to vector<16xf32>
      tpu.vector_store %arg9[%swap3A], %swap3A_1241 {strides = array<i32>} : memref<64xf32, #tpu.memory_space<vmem>>, vector<16xf32>,
      %swap3A_1242 = arith.constant 16 : index
      %swap3A_1243 = tpu.vector_load %arg9[%swap3A_1242] {strides = array<i32>} : memref<64xf32, #tpu.memory_space<vmem>>, vector<16xf32>,
      %swap3A_1244 = vector.shape_cast %swap3A_1243 : vector<16xf32> to vector<16xf32>
      %swap3A_1245 = vector.shape_cast %add3A_1220 : vector<16xf32> to vector<16xf32>
      tpu.vector_store %arg9[%swap3A_1242], %swap3A_1245 {strides = array<i32>} : memref<64xf32, #tpu.memory_space<vmem>>, vector<16xf32>,
      %swap3A_1246 = arith.constant 32 : index
      %swap3A_1247 = tpu.vector_load %arg9[%swap3A_1246] {strides = array<i32>} : memref<64xf32, #tpu.memory_space<vmem>>, vector<16xf32>,
      %swap3A_1248 = vector.shape_cast %swap3A_1247 : vector<16xf32> to vector<16xf32>
      %swap3A_1249 = vector.shape_cast %add3A_1229 : vector<16xf32> to vector<16xf32>
      tpu.vector_store %arg9[%swap3A_1246], %swap3A_1249 {strides = array<i32>} : memref<64xf32, #tpu.memory_space<vmem>>, vector<16xf32>,
      %swap3A_1250 = arith.constant 48 : index
      %swap3A_1251 = tpu.vector_load %arg9[%swap3A_1250] {strides = array<i32>} : memref<64xf32, #tpu.memory_space<vmem>>, vector<16xf32>,
      %swap3A_1252 = vector.shape_cast %swap3A_1251 : vector<16xf32> to vector<16xf32>
      %swap3A_1253 = vector.shape_cast %add3A_1238 : vector<16xf32> to vector<16xf32>
      tpu.vector_store %arg9[%swap3A_1250], %swap3A_1253 {strides = array<i32>} : memref<64xf32, #tpu.memory_space<vmem>>, vector<16xf32>,
      %mul3A_1254 = arith.constant 64 : i32
      %mul3A_1255 = arith.muli %add3A, %mul3A_1254 : i32
      %multiple_of3A_1256 = tpu.assume_multiple %mul3A_1255, 8 : i32
      "tpu.region"() ({
        %run_scoped3A = tpu.sem_alloc : memref<!tpu.dma_semaphore, #tpu.memory_space<semaphore_mem>>
        %dma_start3A_1257 = tpu.memref_slice %arg5[%multiple_of3A_1256] : memref<832xf32, #tpu.memory_space<hbm>> -> memref<64xf32, #tpu.memory_space<hbm>>
        %dma_start3A_1258 = tpu.memref_slice %arg5[%multiple_of3A_1256] : memref<832xf32, #tpu.memory_space<hbm>> -> memref<64xf32, #tpu.memory_space<hbm>>
        tpu.enqueue_dma source(%arg9 : memref<64xf32, #tpu.memory_space<vmem>>) target(%dma_start3A_1258 : memref<64xf32, #tpu.memory_space<hbm>>) target_semaphore(%run_scoped3A : memref<!tpu.dma_semaphore, #tpu.memory_space<semaphore_mem>>)
        %dma_wait3A_1259 = tpu.memref_slice %arg5[%multiple_of3A_1256] : memref<832xf32, #tpu.memory_space<hbm>> -> memref<64xf32, #tpu.memory_space<hbm>>
        %dma_wait3A_1260 = tpu.memref_slice %arg5[%multiple_of3A_1256] : memref<832xf32, #tpu.memory_space<hbm>> -> memref<64xf32, #tpu.memory_space<hbm>>
        tpu.wait_dma2 semaphore(%run_scoped3A : memref<!tpu.dma_semaphore, #tpu.memory_space<semaphore_mem>>) src(%arg9 : memref<64xf32, #tpu.memory_space<vmem>>) dst(%dma_wait3A_1260 : memref<64xf32, #tpu.memory_space<hbm>>)
        tpu.yield
      }) : () -> ()
    } else {
    }
    return
  }
}

module attributes {stable_mosaic.version = 14 : i64} {
  func.func @_tc_head_body(%arg0: memref<13x64xf32, #tpu.memory_space<vmem>>, %arg1: memref<2x64xf32, #tpu.memory_space<vmem>>, %arg2: memref<1x2xf32, #tpu.memory_space<vmem>>, %arg3: memref<1x2xf32, #tpu.memory_space<vmem>>) attributes {dimension_semantics = [], scalar_prefetch = 0 : i64, scratch_operands = 0 : i64, tpu.core_type = #tpu.core_type<tc>} {
    %get3A = arith.constant 0 : index
    %get3A_0 = arith.constant 0 : index
    %get3A_1 = vector.load %arg0[%get3A, %get3A_0] : memref<13x64xf32, #tpu.memory_space<vmem>>, vector<13x64xf32>
    %reduce_sum3A = arith.constant dense<0.000000e+00> : vector<64xf32>
    %reduce_sum3A_2 = vector.multi_reduction <add>, %get3A_1, %reduce_sum3A [0] : vector<13x64xf32> to vector<64xf32>
    %broadcast_in_dim3A = vector.shape_cast %reduce_sum3A_2 : vector<64xf32> to vector<1x64xf32>
    %mul3A = arith.constant 5.000000e-08 : f32
    %mul3A_3 = vector.broadcast %mul3A : f32 to vector<1x64xf32>
    %mul3A_4 = arith.mulf %broadcast_in_dim3A, %mul3A_3 : vector<1x64xf32>
    %get3A_5 = arith.constant 0 : index
    %get3A_6 = arith.constant 0 : index
    %get3A_7 = vector.load %arg1[%get3A_5, %get3A_6] : memref<2x64xf32, #tpu.memory_space<vmem>>, vector<2x64xf32>
    %dot_general3A = arith.constant dense<0.000000e+00> : vector<1x2xf32>
    %dot_general3A_8 = tpu.matmul %mul3A_4, %get3A_7, %dot_general3A {dimension_numbers = #tpu.dot_dimension_numbers<[1], [1], [0], [0], [0, 0, 1, 0], [], []>, transpose_lhs_hint = false} : vector<1x64xf32>, vector<2x64xf32>, vector<1x2xf32> -> vector<1x2xf32>
    %get3A_9 = arith.constant 0 : index
    %get3A_10 = arith.constant 0 : index
    %get3A_11 = vector.load %arg2[%get3A_9, %get3A_10] : memref<1x2xf32, #tpu.memory_space<vmem>>, vector<1x2xf32>
    %add3A = arith.addf %dot_general3A_8, %get3A_11 : vector<1x2xf32>
    %reduce_max3A = arith.constant dense<0xFF800000> : vector<1xf32>
    %reduce_max3A_12 = vector.multi_reduction <maximumf>, %add3A, %reduce_max3A [1] : vector<1x2xf32> to vector<1xf32>
    %broadcast_in_dim3A_13 = vector.shape_cast %reduce_max3A_12 : vector<1xf32> to vector<1x1xf32>
    %sub3A = vector.broadcast %broadcast_in_dim3A_13 : vector<1x1xf32> to vector<1x2xf32>
    %sub3A_14 = arith.subf %add3A, %sub3A : vector<1x2xf32>
    %exp3A = math.exp %sub3A_14 : vector<1x2xf32>
    %reduce_sum3A_15 = arith.constant dense<0.000000e+00> : vector<1xf32>
    %reduce_sum3A_16 = vector.multi_reduction <add>, %exp3A, %reduce_sum3A_15 [1] : vector<1x2xf32> to vector<1xf32>
    %broadcast_in_dim3A_17 = vector.shape_cast %reduce_sum3A_16 : vector<1xf32> to vector<1x1xf32>
    %log3A = math.log %broadcast_in_dim3A_17 : vector<1x1xf32>
    %sub3A_18 = vector.broadcast %log3A : vector<1x1xf32> to vector<1x2xf32>
    %sub3A_19 = arith.subf %sub3A_14, %sub3A_18 : vector<1x2xf32>
    %swap3A = arith.constant 0 : index
    %swap3A_20 = arith.constant 0 : index
    %swap3A_21 = vector.load %arg3[%swap3A, %swap3A_20] : memref<1x2xf32, #tpu.memory_space<vmem>>, vector<1x2xf32>
    tpu.vector_store %arg3[%swap3A, %swap3A_20], %sub3A_19 {strides = array<i32>} : memref<1x2xf32, #tpu.memory_space<vmem>>, vector<1x2xf32>,
    return
  }
}

</mosaic_0001>

<sc_bundles>
// kernel: kernel.4.cloned.1.call-start
scs
__scs_entry_jumppad:
0x0: {  	(pc) =	sbr.rel $0x88, $3  }
0x1: {  	(tag) =	ssettag $0x0;
	lr =	simm.s32 $0x1  }
0x2: {  	[smem:$0x3F9C] =	sst lr;
	_ =	strace $0xD0000000  }
0x3: {  	_ = 	snop  }
0x4: {  	_ = 	snop  }
0x5: {  	_ = 	snop  }
0x6: {  	_ = 	snop  }
0x7: {  	_ = 	snop  }
__scs_overlays_trampoline_lowered:
0x8: {  	[smem:$0x3FAB] =	sst s0  }
0x9: {  	[smem:$0x3FAC] =	sst s1  }
0xa: {  	[smem:$0x3FAD] =	sst s2  }
0xb: {  	[smem:$0x3FAE] =	sst s3  }
0xc: {  	[smem:$0x3FAF] =	sst s4  }
0xd: {  	[smem:$0x3FB0] =	sst s5  }
0xe: {  	[smem:$0x3FB1] =	sst s6  }
0xf: {  	[smem:$0x3FB2] =	sst s7  }
0x10: {  	[smem:$0x3FB3] =	sst s8  }
0x11: {  	[smem:$0x3FB4] =	sst s9;
	s0 =	simm.s32 @!p0 $0x0  }
0x12: {  	s1 =	sld [smem:$0x3F9A];
	s0 =	simm.s32 @p0 $0x1  }
0x13: {  	[smem:$0x3FB5] =	sst s0;
	s0 =	simm.s32 @!p1 $0x0  }
0x14: {  	s2 =	sld [smem:$0x3F99];
	s0 =	simm.s32 @p1 $0x1  }
0x15: {  	[smem:$0x3FB6] =	sst s0;
	s0 =	simm.s32 @!p2 $0x0  }
0x16: {  	s3 =	sld [smem:$0x3FDB];
	s0 =	simm.s32 @p2 $0x1  }
0x17: {  	s4 =	simm.s32 $0x1BF5;
	[smem:$0x3FB8] =	sst s0  }
0x18: {  	s0 =	sld [smem:$0x3F9B];
	_ =	swait.ge [sflag:s4], $0x0  }
0x19: {  	s7 =	sld [smem:$0x3F9C]  }
0x1a: {  	s8 =	sadd.s32 $0xFFFFE003, lr  }
0x1b: {  	s9 =	sadd.s32 $0xFFFFFEF7, lr;
	s5 =	simm.s32 $0xFFFFFFFF;
	p2 =	slt.u32 s8, $0xFFFFF086  }
0x1c: {  	p1 =	slt.u32 s9, $0xF7A;
	s5 =	simm.s32 @!p2 $0x0  }
0x1d: {  	s5 =	simm.s32 @p1 $0x1;
	p0 =	seq.s32 s7, s2  }
0x1e: {  	s7 =	smul.u32 @!p0 $0xF7A, s2;
	p2 =	seq.s32 @!p0 s5, $0x0  }
0x1f: {  	s9 =	smul.u32 $0xF7A, s1;
	s8 =	simm.s32 @!p0 $0x1BF5;
	p2 =	por !p2, p0  }
0x20: {  	[sflag:s8] =	ssyncset.s32 @!p0 $0xFFFFF086;
	s6 =	sadd.s32 @!p0 s3, s7;
	s7 =	simm.s32 @!p0 $0x108  }
0x21: {  	s3 =	sadd.s32 s3, s9;
	s6 =	sadd.s32 @!p0 $0x88, s6;
	s7 =	simm.s32 @p2 $0x1082  }
0x22: {  	[simem:s7], [sflag:s8] =	dma.local @!p0 [hbm:s6], $0xF7A  }
0x23: {  	s9 =	sor.u32 $0xD0000000, s2;
	s6 =	simm.s32 $0x108;
	_ =	swait.ge @!p0 [sflag:s8], $0x0  }
0x24: {  	s3 =	sadd.s32 $0x88, s3;
	s6 =	simm.s32 @!p1 $0x1082;
	[sflag:s4] =	ssyncset.s32 $0xFFFFF086  }
0x25: {  	[simem:s6], [sflag:s4] =	dma.local [hbm:s3], $0xF7A  }
0x26: {  	[smem:$0x3F9C] =	sst s1;
	(tag) =	ssettag s2;
	_ =	strace s9  }
0x27: {  	s1 =	sld [smem:$0x3FAC]  }
0x28: {  	s2 =	sld [smem:$0x3FAD]  }
0x29: {  	s4 =	sld [smem:$0x3FAF]  }
0x2a: {  	p0 =	seq.s32 s5, $0x0;
	s5 =	sld [smem:$0x3FB0]  }
0x2b: {  	s6 =	sld [smem:$0x3FB1]  }
0x2c: {  	s7 =	sld [smem:$0x3FB2]  }
0x2d: {  	s3 =	simm.s32 $0x108;
	s8 =	sld [smem:$0x3FB3]  }
0x2e: {  	s3 =	simm.s32 @!p0 $0x1082;
	s9 =	sld [smem:$0x3FB4]  }
0x2f: {  	lr =	sadd.s32 s0, s3;
	s0 =	sld [smem:$0x3FAB]  }
0x30: {  	s3 =	sld [smem:$0x3FAE]  }
0x31: {  	[smem:$0x3FB7] =	sst s10  }
0x32: {  	s10 =	sld [smem:$0x3FB5];
	_ =	sdelay $0x3  }
0x33: {  	p0 =	seq.s32 s10, $0x1;
	s10 =	sld [smem:$0x3FB7];
	_ =	sdelay $0x3  }
0x34: {  	[smem:$0x3FB7] =	sst s10  }
0x35: {  	s10 =	sld [smem:$0x3FB6];
	_ =	sdelay $0x3  }
0x36: {  	p1 =	seq.s32 s10, $0x1;
	s10 =	sld [smem:$0x3FB7];
	_ =	sdelay $0x3  }
0x37: {  	[smem:$0x3FB7] =	sst s10  }
0x38: {  	s10 =	sld [smem:$0x3FB8]  }
0x39: {  	_ = 	snop;
	(pc) =	sbr.ind lr, $3  }
0x3a: {  	_ = 	snop  }
0x3b: {  	_ = 	snop  }
0x3c: {  	p2 =	seq.s32 s10, $0x1;
	s10 =	sld [smem:$0x3FB7]  }
0x3d: {  	_ =	shalt  }
0x3e: {  	_ =	shalt  }
0x3f: {  	_ =	shalt  }
0x40: {  	_ =	shalt  }
0x41: {  	_ =	shalt  }
0x42: {  	_ =	shalt  }
0x43: {  	_ =	shalt  }
0x44: {  	_ =	shalt  }
0x45: {  	_ =	shalt  }
0x46: {  	_ =	shalt  }
0x47: {  	_ =	shalt  }
0x48: {  	_ =	shalt  }
0x49: {  	_ =	shalt  }
0x4a: {  	_ =	shalt  }
0x4b: {  	_ =	shalt  }
0x4c: {  	_ =	shalt  }
0x4d: {  	_ =	shalt  }
0x4e: {  	_ =	shalt  }
0x4f: {  	_ =	shalt  }
0x50: {  	_ =	shalt  }
0x51: {  	_ =	shalt  }
0x52: {  	_ =	shalt  }
0x53: {  	_ =	shalt  }
0x54: {  	_ =	shalt  }
0x55: {  	_ =	shalt  }
0x56: {  	_ =	shalt  }
0x57: {  	_ =	shalt  }
0x58: {  	_ =	shalt  }
0x59: {  	_ =	shalt  }
0x5a: {  	_ =	shalt  }
0x5b: {  	_ =	shalt  }
0x5c: {  	_ =	shalt  }
0x5d: {  	_ =	shalt  }
0x5e: {  	_ =	shalt  }
0x5f: {  	_ =	shalt  }
0x60: {  	_ =	shalt  }
0x61: {  	_ =	shalt  }
0x62: {  	_ =	shalt  }
0x63: {  	_ =	shalt  }
0x64: {  	_ =	shalt  }
0x65: {  	_ =	shalt  }
0x66: {  	_ =	shalt  }
0x67: {  	_ =	shalt  }
0x68: {  	_ =	shalt  }
0x69: {  	_ =	shalt  }
0x6a: {  	_ =	shalt  }
0x6b: {  	_ =	shalt  }
0x6c: {  	_ =	shalt  }
0x6d: {  	_ =	shalt  }
0x6e: {  	_ =	shalt  }
0x6f: {  	_ =	shalt  }
0x70: {  	_ =	shalt  }
0x71: {  	_ =	shalt  }
0x72: {  	_ =	shalt  }
0x73: {  	_ =	shalt  }
0x74: {  	_ =	shalt  }
0x75: {  	_ =	shalt  }
0x76: {  	_ =	shalt  }
0x77: {  	_ =	shalt  }
0x78: {  	_ =	shalt  }
0x79: {  	_ =	shalt  }
0x7a: {  	_ =	shalt  }
0x7b: {  	_ =	shalt  }
0x7c: {  	_ =	shalt  }
0x7d: {  	_ =	shalt  }
0x7e: {  	_ =	shalt  }
0x7f: {  	_ =	shalt  }
0x80: {  	_ =	shalt  }
0x81: {  	_ =	shalt  }
0x82: {  	_ =	shalt  }
0x83: {  	_ =	shalt  }
0x84: {  	_ =	shalt  }
0x85: {  	_ =	shalt  }
0x86: {  	_ =	shalt  }
0x87: {  	_ =	shalt  }
.Lfunc_end0:
.L_simem_size_0:
called_computation_lowered:
.L_overlay_start_0:
0x88: {  	s2 =	sld [smem:$0x3FD9]  }
0x89: {  	s3 =	sld [smem:$0x3FFE];
	_ =	sdelay $0x1  }
0x8a: {  	s1 =	srdreg.scid  }
0x8b: {  	s0 =	sand.u32 $0x1, s1  }
0x8c: {  	s17 =	sshll.u32 s0, $0xA;
	s2 =	sadd.s32 s3, s2  }
0x8d: {  	s2 =	sadd.s32 s2, s17  }
0x8e: {  	[smem:$0x3FC3] =	sst s2  }
0x8f: {  	_ = 	snop  }
0x90: {  	s2 =	sld [smem:$0x3FC7];
	(tm) =	ssettm $0x1  }
0x91: {  	s18 =	sld [smem:$0x3FFB];
	_ =	sdelay $0x3  }
0x92: {  	_ =	strace s18  }
0x93: {  	s3 =	sld [smem:$0x3FFC];
	_ =	sdelay $0x3  }
0x94: {  	_ =	strace s3  }
0x95: {  	s3 =	sld [smem:$0x3FFD];
	_ =	sdelay $0x3  }
0x96: {  	_ =	strace s3  }
0x97: {  	_ =	strace $0x8FFFFFFF  }
0x98: {  	s19 =	sld [smem:$0x3FDB];
	_ =	sdelay $0x1  }
0x99: {  	s4 =	simm.s32 $_scs_section_size  }
0x9a: {  	s5 =	simm.s32 $_size__tile_overlayer_lowered;
	s6 =	simm.s32 $_tile_overlayer_lowered  }
0x9b: {  	s22 =	simm.s32 $0x1BFF;
	s21 =	sshll.u32 s6, $0x1;
	s3 =	sadd.s32 s4, s19  }
0x9c: {  	s7 =	simm.s32 $0x0;
	s20 =	sshll.u32 s5, $0x1;
	s5 =	sadd.s32 s21, s3  }
0x9d: {  	[timem:s7], [sflag:s22] =	dma.local [hbm:s5], s20  }
0x9e: {  	_ =	swait.ge [sflag:s22], s20  }
0x9f: {  	s4 =	ssub.s32 $0x0, s20;
	[sflag:s22] =	ssyncset.done $0x0  }
0xa0: {  	[sflag:s22] =	ssyncadd.s32 s4;
	_ =	sdelay $0x1  }
0xa1: {  	s23 =	simm.s32 $0x1B8B  }
0xa2: {  	_ =	swait.ge [sflag:s23], $0x1  }
0xa3: {  	[sflag:s23] =	ssyncset.done $0x0  }
0xa4: {  	s25 =	simm.s32 $0x1B8E;
	s24 =	sld [smem:$0x3FFE];
	[sflag:s23] =	ssyncadd.s32 $0xFFFFFFFF  }
0xa5: {  	s26 =	simm.s32 $execute0_lowered;
	[smem:$0x3FD2] =	sst s25  }
0xa6: {  	s5 =	sshll.u32 s26, $0x1;
	_ =	strace $0x80000046;
	[dreg:$0x1] =	wrdreg $0xFFFFFFFF  }
0xa7: {  	s28 =	simm.s32 $_size_execute0_lowered;
	s3 =	sadd.s32 s3, s5;
	[dreg:$0x0] =	wrdreg $0x0  }
0xa8: {  	s5 =	sshll.u32 s28, $0x1;
	[dreg:$0x2] =	wrdreg s3  }
0xa9: {  	[dreg:$0x3] =	wrdreg s5  }
0xaa: {  	[dreg:$0x4] =	wrdreg $0xC0  }
0xab: {  	_ =	task [dreg:s7], $0x5FFFF  }
0xac: {  	[dreg:$0x1] =	wrdreg $0xFFFFFFFF  }
0xad: {  	[dreg:$0x0] =	wrdreg $0x60  }
0xae: {  	[dreg:$0x2] =	wrdreg s24  }
0xaf: {  	[dreg:$0x3] =	wrdreg s2  }
0xb0: {  	[dreg:$0x4] =	wrdreg $0x9  }
0xb1: {  	_ =	task.clear_ibuf [dreg:s7], $0x5FFFF;
	_ =	strace $0x90000046  }
0xb2: {  	s29 =	simm.s32 $0x9;
	_ =	strace $0x80000048  }
0xb3: {  	_ =	swait.ge [sflag:s29], $0x1  }
0xb4: {  	[sflag:s29] =	ssyncadd.s32 $0xFFFFFFFF  }
0xb5: {  	_ =	strace $0x90000048  }
0xb6: {  	_ =	sfence  }
0xb7: {  	s30 =	sld [smem:$0x0];
	_ =	sdelay $0x2  }
0xb8: {  	s31 =	sshll.u32 s1, $0xD;
	s1 =	sshrl.u32 s1, $0x2  }
0xb9: {  	s3 =	sand.u32 $0x4000, s31;
	s1 =	sadd.s32 s1, s30  }
0xba: {  	s0 =	sor.u32 s3, s0;
	s1 =	sshll.u32 s1, $0x11  }
0xbb: {  	s0 =	sor.u32 s1, s0  }
0xbc: {  	s0 =	sadd.s32 $0x8F2B, s0  }
0xbd: {  	[sflag:s0] =	ssyncadd.remote.s32 $0x1  }
0xbe: {  	_ =	sfence.sel $0xFFFF  }
0xbf: {  	[dreg:$0x0] =	wrdreg $0xFFFFFFFF;
	(pc) =	sbr.abs _section_cstart, $3  }
0xc0: {  	[dreg:$0x1] =	wrdreg $0xFFFFFFFF  }
0xc1: {  	_ =	task.clear_ibuf [dreg:s7], $0x2FFFF;
	_ =	strace $0x9FFFFFFF  }
0xc2: {  	(tm) =	ssettm $0x7FFFFFFF  }
0xc3: {  	_ =	shalt  }
tec
execute0_lowered:
.L_overlay_start_1:
0x0: {  	(tag) =	ssettag $0x1  }
0x1: {  	s2 =	srdreg.scid;
	s0 =	stileid.u32  }
0x2: {  	s4 =	sand.u32 $0x1, s2;
	s5 =	sshll.u32 s0, $0x1  }
0x3: {  	s5 =	sor.u32 s4, s5  }
0x4: {  	p0 =	sgt.u32 s5, $0xC  }
.Ltmp0:
0x5: {  	s3 =	rddreg [dreg:$0x0];
	(pc) =	sbr.rel @p0 .LBB2_3-.Ltmp0, $4  }
0x6: {  	s1 =	rddreg [dreg:$0x1]  }
0x7: {  	[dreg:$0x3] =	wrdreg s1;
	s2 =	simm.s32 $0x0  }
0x8: {  	[smem:$0x7FF] =	sst s2  }
0x9: {  	s1 =	rddreg [dreg:$0x2];
	_ =	strace $0x80000047  }
0xa: {  	s11 =	simm.s32 $0x10  }
0xb: {  	s12 =	simm.s32 $0x4080;
	[dreg:$0x6] =	wrdreg s11  }
0xc: {  	s13 =	simm.s32 $0x80;
	[dreg:$0x7] =	wrdreg s12  }
0xd: {  	s14 =	simm.s32 $0x480;
	[dreg:$0x8] =	wrdreg s13  }
0xe: {  	s15 =	simm.s32 $0x880;
	[dreg:$0x9] =	wrdreg s14  }
0xf: {  	s16 =	simm.s32 $0xC80;
	[dreg:$0xa] =	wrdreg s15  }
0x10: {  	s17 =	simm.s32 $0x1080;
	[dreg:$0xb] =	wrdreg s16  }
0x11: {  	s18 =	simm.s32 $0x1480;
	[dreg:$0xc] =	wrdreg s17  }
0x12: {  	s19 =	simm.s32 $0x1880;
	[dreg:$0xd] =	wrdreg s18  }
0x13: {  	s20 =	simm.s32 $0x1C80;
	[dreg:$0xe] =	wrdreg s19  }
0x14: {  	s21 =	simm.s32 $0x2080;
	[dreg:$0xf] =	wrdreg s20  }
0x15: {  	s22 =	simm.s32 $0x2480;
	[dreg:$0x10] =	wrdreg s21  }
0x16: {  	s6 =	sshll.u32 s5, $0x3;
	s23 =	simm.s32 $0x2880;
	[dreg:$0x11] =	wrdreg s22  }
0x17: {  	s7 =	sadd.s32 $0x600, s3;
	s24 =	simm.s32 $0x2C80;
	[dreg:$0x12] =	wrdreg s23  }
0x18: {  	s10 =	sshll.u32 s5, $0x1;
	s25 =	simm.s32 $0x3080;
	[dreg:$0x13] =	wrdreg s24  }
0x19: {  	s4 =	ssub.s32 $0x2, s4;
	s26 =	simm.s32 $0x3480;
	[dreg:$0x14] =	wrdreg s25  }
0x1a: {  	s29 =	simm.s32 $0x3880;
	s30 =	simm.s32 $0x3C80;
	[dreg:$0x15] =	wrdreg s26  }
0x1b: {  	s31 =	simm.s32 $0x4100;
	s6 =	sadd.s32 s6, s3;
	[dreg:$0x16] =	wrdreg s29  }
0x1c: {  	s5 =	sadd.s32 s7, s10;
	s3 =	sadd.s32 $0x800, s3;
	[dreg:$0x17] =	wrdreg s30  }
0x1d: {  	s28 =	sshrl.u32 s4, $0x1;
	[dreg:$0x18] =	wrdreg s31;
	s6 =	sadd.s32 $0xF42C00, s6  }
0x1e: {  	[dreg:$0x5] =	wrdreg s5;
	s4 =	ssub.s32 s4, s28;
	s5 =	simm.s32 $0x2  }
0x1f: {  	[dreg:$0x4] =	wrdreg s6;
	s4 =	smax.u32 s4, $0x1;
	s6 =	simm.s32 $0x1  }
.LBB2_2:
0x20: {  	s7 =	rddreg [dreg:$0x5]  }
0x21: {  	[tilespmem:s2], [sflag:$0x2] =	stream.linear.gather [hbm4b:s7+s2], $0x10, $0x38;
	[tilespmem:$0x4180] =	vst v63  }
0x22: {  	_ =	swait.ge [sflag:s5], $0x10  }
0x23: {  	s24 =	rddreg [dreg:$0x3]  }
0x24: {  	s8 =	rddreg [dreg:$0x6];
	[sflag:s5] =	ssyncset.done $0x0  }
0x25: {  	s9 =	rddreg [dreg:$0x7];
	[sflag:s5] =	ssyncadd.s32 $0xFFFFFFF0  }
0x26: {  	[tilespmem:s9], [sflag:$0x1] =	stream.indirect.gather [hbm4b:s24+s8], $0x1, s2, s8, $0xb8;
	[tilespmem:$0x4180] =	vst v63  }
0x27: {  	v0 =	vld [tilespmem:$0x0];
	_ =	sdelay $0x4  }
0x28: {  	v1 =	vshrl.u32 v0, $0x3  }
0x29: {  	v1 =	vshll.u32 v1, $0x7  }
0x2a: {  	(v2sf) =	vpush v1, $0x0;
	_ =	sdelay $0x1  }
0x2b: {  	(v2sf) =	vpush v1, $0x1;
	_ =	sdelay $0x1  }
0x2c: {  	(v2sf) =	vpush v1, $0x2;
	_ =	sdelay $0x2  }
0x2d: {  	(v2sf) =	vpush v1, $0x3;
	_ =	sdelay $0x7  }
0x2e: {  	s25 =	spop (v2sf);
	(v2sf) =	vpush v1, $0x4;
	_ =	sdelay $0x1  }
0x2f: {  	s28 =	spop (v2sf);
	(v2sf) =	vpush v1, $0x5;
	_ =	sdelay $0x1  }
0x30: {  	s30 =	spop (v2sf);
	(v2sf) =	vpush v1, $0x6;
	_ =	sdelay $0x1  }
0x31: {  	s7 =	sand.u32 $0x1FFFFF80, s25  }
0x32: {  	s26 =	rddreg [dreg:$0x8];
	s7 =	sadd.s32 s3, s7;
	s9 =	spop (v2sf);
	(v2sf) =	vpush v1, $0x7  }
0x33: {  	[tilespmem:s26], [sflag:$0x1] =	stream.linear.gather [hbm4b:s7+s2], $0x400, $0x38;
	[tilespmem:$0x4180] =	vst v63  }
0x34: {  	s7 =	sand.u32 $0x1FFFFF80, s28  }
0x35: {  	s29 =	rddreg [dreg:$0x9];
	s7 =	sadd.s32 s3, s7  }
0x36: {  	[tilespmem:s29], [sflag:$0x1] =	stream.linear.gather [hbm4b:s7+s2], $0x400, $0x38;
	[tilespmem:$0x4180] =	vst v63  }
0x37: {  	s7 =	sand.u32 $0x1FFFFF80, s30  }
0x38: {  	s31 =	rddreg [dreg:$0xa];
	s7 =	sadd.s32 s3, s7  }
0x39: {  	[tilespmem:s31], [sflag:$0x1] =	stream.linear.gather [hbm4b:s7+s2], $0x400, $0x38;
	[tilespmem:$0x4180] =	vst v63  }
0x3a: {  	s11 =	spop (v2sf);
	(v2sf) =	vpush v1, $0x8  }
0x3b: {  	s7 =	sand.u32 $0x1FFFFF80, s9  }
0x3c: {  	s10 =	rddreg [dreg:$0xb];
	s7 =	sadd.s32 s3, s7;
	s13 =	spop (v2sf);
	(v2sf) =	vpush v1, $0x9  }
0x3d: {  	[tilespmem:s10], [sflag:$0x1] =	stream.linear.gather [hbm4b:s7+s2], $0x400, $0x38;
	[tilespmem:$0x4180] =	vst v63  }
0x3e: {  	s7 =	sand.u32 $0x1FFFFF80, s11;
	s15 =	spop (v2sf);
	(v2sf) =	vpush v1, $0xA  }
0x3f: {  	s12 =	rddreg [dreg:$0xc];
	s7 =	sadd.s32 s3, s7  }
0x40: {  	[tilespmem:s12], [sflag:$0x1] =	stream.linear.gather [hbm4b:s7+s2], $0x400, $0x38;
	[tilespmem:$0x4180] =	vst v63  }
0x41: {  	s17 =	spop (v2sf);
	(v2sf) =	vpush v1, $0xB  }
0x42: {  	s7 =	sand.u32 $0x1FFFFF80, s13  }
0x43: {  	s14 =	rddreg [dreg:$0xd];
	s7 =	sadd.s32 s3, s7  }
0x44: {  	[tilespmem:s14], [sflag:$0x1] =	stream.linear.gather [hbm4b:s7+s2], $0x400, $0x38;
	[tilespmem:$0x4180] =	vst v63  }
0x45: {  	s7 =	sand.u32 $0x1FFFFF80, s15  }
0x46: {  	s16 =	rddreg [dreg:$0xe];
	s7 =	sadd.s32 s3, s7  }
0x47: {  	[tilespmem:s16], [sflag:$0x1] =	stream.linear.gather [hbm4b:s7+s2], $0x400, $0x38;
	[tilespmem:$0x4180] =	vst v63  }
0x48: {  	s7 =	sand.u32 $0x1FFFFF80, s17  }
0x49: {  	s18 =	rddreg [dreg:$0xf];
	s7 =	sadd.s32 s3, s7;
	s19 =	spop (v2sf);
	(v2sf) =	vpush v1, $0xC  }
0x4a: {  	[tilespmem:s18], [sflag:$0x1] =	stream.linear.gather [hbm4b:s7+s2], $0x400, $0x38;
	[tilespmem:$0x4180] =	vst v63  }
0x4b: {  	s21 =	spop (v2sf);
	(v2sf) =	vpush v1, $0xD  }
0x4c: {  	s7 =	sand.u32 $0x1FFFFF80, s19  }
0x4d: {  	s20 =	rddreg [dreg:$0x10];
	s7 =	sadd.s32 s3, s7;
	s23 =	spop (v2sf)  }
0x4e: {  	(v2sf) =	vpush v1, $0xE;
	[tilespmem:s20], [sflag:$0x1] =	stream.linear.gather [hbm4b:s7+s2], $0x400, $0x38;
	[tilespmem:$0x4180] =	vst v63  }
0x4f: {  	s7 =	sand.u32 $0x1FFFFF80, s21  }
0x50: {  	s22 =	rddreg [dreg:$0x11];
	s25 =	spop (v2sf);
	s7 =	sadd.s32 s3, s7  }
0x51: {  	(v2sf) =	vpush v1, $0xF;
	[tilespmem:s22], [sflag:$0x1] =	stream.linear.gather [hbm4b:s7+s2], $0x400, $0x38;
	[tilespmem:$0x4180] =	vst v63  }
0x52: {  	s7 =	sand.u32 $0x1FFFFF80, s23  }
0x53: {  	s24 =	rddreg [dreg:$0x12];
	s7 =	sadd.s32 s3, s7  }
0x54: {  	[tilespmem:s24], [sflag:$0x1] =	stream.linear.gather [hbm4b:s7+s2], $0x400, $0x38;
	[tilespmem:$0x4180] =	vst v63  }
0x55: {  	s7 =	sand.u32 $0x1FFFFF80, s25  }
0x56: {  	s26 =	rddreg [dreg:$0x13];
	s7 =	sadd.s32 s3, s7  }
0x57: {  	[tilespmem:s26], [sflag:$0x1] =	stream.linear.gather [hbm4b:s7+s2], $0x400, $0x38;
	[tilespmem:$0x4180] =	vst v63  }
0x58: {  	s28 =	spop (v2sf)  }
0x59: {  	s7 =	sand.u32 $0x1FFFFF80, s28  }
0x5a: {  	s29 =	rddreg [dreg:$0x14];
	s30 =	spop (v2sf);
	s7 =	sadd.s32 s3, s7  }
0x5b: {  	[tilespmem:s29], [sflag:$0x1] =	stream.linear.gather [hbm4b:s7+s2], $0x400, $0x38;
	[tilespmem:$0x4180] =	vst v63  }
0x5c: {  	s7 =	sand.u32 $0x1FFFFF80, s30  }
0x5d: {  	s31 =	rddreg [dreg:$0x15];
	s9 =	spop (v2sf);
	s7 =	sadd.s32 s3, s7  }
0x5e: {  	[tilespmem:s31], [sflag:$0x1] =	stream.linear.gather [hbm4b:s7+s2], $0x400, $0x38;
	[tilespmem:$0x4180] =	vst v63  }
0x5f: {  	s7 =	sand.u32 $0x1FFFFF80, s9  }
0x60: {  	s10 =	rddreg [dreg:$0x16];
	s11 =	spop (v2sf);
	s7 =	sadd.s32 s3, s7  }
0x61: {  	[tilespmem:s10], [sflag:$0x1] =	stream.linear.gather [hbm4b:s7+s2], $0x400, $0x38;
	[tilespmem:$0x4180] =	vst v63  }
0x62: {  	s7 =	sand.u32 $0x1FFFFF80, s11  }
0x63: {  	s12 =	rddreg [dreg:$0x17];
	s7 =	sadd.s32 s3, s7  }
0x64: {  	[tilespmem:s12], [sflag:$0x1] =	stream.linear.gather [hbm4b:s7+s2], $0x400, $0x38;
	[tilespmem:$0x4180] =	vst v63  }
0x65: {  	_ =	swait.ge [sflag:s6], $0x10  }
0x66: {  	[sflag:s6] =	ssyncset.done $0x0  }
0x67: {  	[sflag:s6] =	ssyncadd.s32 $0xFFFFFFF0  }
0x68: {  	_ =	swait.ge [sflag:s6], $0x400  }
0x69: {  	[sflag:s6] =	ssyncset.done $0x0  }
0x6a: {  	[sflag:s6] =	ssyncadd.s32 $0xFFFFFC00  }
0x6b: {  	_ =	swait.ge [sflag:s6], $0x400  }
0x6c: {  	[sflag:s6] =	ssyncset.done $0x0  }
0x6d: {  	[sflag:s6] =	ssyncadd.s32 $0xFFFFFC00  }
0x6e: {  	_ =	swait.ge [sflag:s6], $0x400  }
0x6f: {  	[sflag:s6] =	ssyncset.done $0x0  }
0x70: {  	[sflag:s6] =	ssyncadd.s32 $0xFFFFFC00  }
0x71: {  	_ =	swait.ge [sflag:s6], $0x400  }
0x72: {  	[sflag:s6] =	ssyncset.done $0x0  }
0x73: {  	[sflag:s6] =	ssyncadd.s32 $0xFFFFFC00  }
0x74: {  	_ =	swait.ge [sflag:s6], $0x400  }
0x75: {  	[sflag:s6] =	ssyncset.done $0x0  }
0x76: {  	[sflag:s6] =	ssyncadd.s32 $0xFFFFFC00  }
0x77: {  	_ =	swait.ge [sflag:s6], $0x400  }
0x78: {  	[sflag:s6] =	ssyncset.done $0x0  }
0x79: {  	[sflag:s6] =	ssyncadd.s32 $0xFFFFFC00  }
0x7a: {  	_ =	swait.ge [sflag:s6], $0x400  }
0x7b: {  	[sflag:s6] =	ssyncset.done $0x0  }
0x7c: {  	[sflag:s6] =	ssyncadd.s32 $0xFFFFFC00  }
0x7d: {  	_ =	swait.ge [sflag:s6], $0x400  }
0x7e: {  	[sflag:s6] =	ssyncset.done $0x0  }
0x7f: {  	[sflag:s6] =	ssyncadd.s32 $0xFFFFFC00  }
0x80: {  	_ =	swait.ge [sflag:s6], $0x400  }
0x81: {  	[sflag:s6] =	ssyncset.done $0x0  }
0x82: {  	[sflag:s6] =	ssyncadd.s32 $0xFFFFFC00  }
0x83: {  	_ =	swait.ge [sflag:s6], $0x400  }
0x84: {  	[sflag:s6] =	ssyncset.done $0x0  }
0x85: {  	[sflag:s6] =	ssyncadd.s32 $0xFFFFFC00  }
0x86: {  	_ =	swait.ge [sflag:s6], $0x400  }
0x87: {  	[sflag:s6] =	ssyncset.done $0x0  }
0x88: {  	[sflag:s6] =	ssyncadd.s32 $0xFFFFFC00  }
0x89: {  	_ =	swait.ge [sflag:s6], $0x400  }
0x8a: {  	[sflag:s6] =	ssyncset.done $0x0  }
0x8b: {  	[sflag:s6] =	ssyncadd.s32 $0xFFFFFC00  }
0x8c: {  	_ =	swait.ge [sflag:s6], $0x400  }
0x8d: {  	[sflag:s6] =	ssyncset.done $0x0  }
0x8e: {  	[sflag:s6] =	ssyncadd.s32 $0xFFFFFC00  }
0x8f: {  	_ =	swait.ge [sflag:s6], $0x400  }
0x90: {  	[sflag:s6] =	ssyncset.done $0x0  }
0x91: {  	[sflag:s6] =	ssyncadd.s32 $0xFFFFFC00  }
0x92: {  	_ =	swait.ge [sflag:s6], $0x400  }
0x93: {  	[sflag:s6] =	ssyncset.done $0x0  }
0x94: {  	v0 =	vand.u32 $0x7, v0;
	[sflag:s6] =	ssyncadd.s32 $0xFFFFFC00  }
0x95: {  	v1 =	vshll.u32 v0, $0x7;
	_ =	swait.ge [sflag:s6], $0x400  }
0x96: {  	(v2sf) =	vpush v1, $0x1;
	_ =	sdelay $0x3  }
0x97: {  	(v2sf) =	vpush v1, $0x0;
	_ =	sdelay $0x3  }
0x98: {  	(v2sf) =	vpush v1, $0x3;
	_ =	sdelay $0x3  }
0x99: {  	(v2sf) =	vpush v1, $0x2  }
0x9a: {  	[sflag:s6] =	ssyncset.done $0x0  }
0x9b: {  	[sflag:s6] =	ssyncadd.s32 $0xFFFFFC00  }
0x9c: {  	v41 =	vld [tilespmem:$0x4080];
	s13 =	spop (v2sf)  }
0x9d: {  	(v2sf) =	vpush v1, $0x5;
	v6 =	vld [tilespmem:s13+$0x480]  }
0x9e: {  	v7 =	vld [tilespmem:s13+$0x490]  }
0x9f: {  	v8 =	vld [tilespmem:s13+$0x4A0]  }
0xa0: {  	s14 =	spop (v2sf);
	v9 =	vld [tilespmem:s13+$0x4B0]  }
0xa1: {  	(v2sf) =	vpush v1, $0x4;
	v2 =	vld [tilespmem:s14+$0x80]  }
0xa2: {  	v3 =	vld [tilespmem:s14+$0x90]  }
0xa3: {  	v4 =	vld [tilespmem:s14+$0xA0]  }
0xa4: {  	(erf) = vrcp.f32 v41;
	v5 =	vld [tilespmem:s14+$0xB0];
	s15 =	spop (v2sf)  }
0xa5: {  	(v2sf) =	vpush v1, $0x7;
	v14 =	vld [tilespmem:s15+$0xC80]  }
0xa6: {  	v15 =	vld [tilespmem:s15+$0xC90]  }
0xa7: {  	v16 =	vld [tilespmem:s15+$0xCA0]  }
0xa8: {  	s16 =	spop (v2sf);
	v17 =	vld [tilespmem:s15+$0xCB0]  }
0xa9: {  	(v2sf) =	vpush v1, $0x6;
	v10 =	vld [tilespmem:s16+$0x880]  }
0xaa: {  	v11 =	vld [tilespmem:s16+$0x890]  }
0xab: {  	v12 =	vld [tilespmem:s16+$0x8A0]  }
0xac: {  	v13 =	vld [tilespmem:s16+$0x8B0];
	s17 =	spop (v2sf)  }
0xad: {  	v0 =	vpop (erf);
	(v2sf) =	vpush v1, $0x9;
	v24 =	vld [tilespmem:s17+$0x1480]  }
0xae: {  	v19 =	vbroadcast v0, $0x0;
	v25 =	vld [tilespmem:s17+$0x1490]  }
0xaf: {  	v22 =	vbroadcast v0, $0x1;
	v26 =	vbroadcast v0, $0x2;
	v42 =	vld [tilespmem:s17+$0x14A0]  }
0xb0: {  	v48 =	vbroadcast v0, $0x3;
	v58 =	vbroadcast v0, $0x4;
	s18 =	spop (v2sf);
	v44 =	vld [tilespmem:s17+$0x14B0]  }
0xb1: {  	v28 =	vbroadcast v0, $0x5;
	v37 =	vbroadcast v0, $0x6;
	(v2sf) =	vpush v1, $0x8;
	v18 =	vld [tilespmem:s18+$0x1080]  }
0xb2: {  	v6 =	vmul.f32 v6, v22;
	v43 =	vmul.f32 v7, v22;
	v20 =	vld [tilespmem:s18+$0x1090]  }
0xb3: {  	v8 =	vmul.f32 v8, v22;
	v45 =	vmul.f32 v9, v22;
	v21 =	vld [tilespmem:s18+$0x10A0]  }
0xb4: {  	v2 =	vmul.f32 v19, v2;
	v3 =	vmul.f32 v3, v19;
	v23 =	vld [tilespmem:s18+$0x10B0];
	s19 =	spop (v2sf)  }
0xb5: {  	v4 =	vmul.f32 v4, v19;
	v5 =	vmul.f32 v5, v19;
	(v2sf) =	vpush v1, $0xB;
	v55 =	vld [tilespmem:s19+$0x1C80]  }
0xb6: {  	v54 =	vmul.f32 v14, v48;
	v56 =	vmul.f32 v15, v48;
	v2 =	vadd.f32 $0.0e+00, v2;
	v57 =	vld [tilespmem:s19+$0x1C90]  }
0xb7: {  	v60 =	vmul.f32 v16, v48;
	v3 =	vadd.f32 $0.0e+00, v3;
	v4 =	vadd.f32 $0.0e+00, v4;
	v59 =	vld [tilespmem:s19+$0x1CA0]  }
0xb8: {  	v5 =	vadd.f32 $0.0e+00, v5;
	v47 =	vmul.f32 v10, v26;
	s20 =	spop (v2sf);
	(v2sf) =	vpush v1, $0xA;
	v61 =	vld [tilespmem:s19+$0x1CB0]  }
0xb9: {  	v50 =	vmul.f32 v11, v26;
	v51 =	vmul.f32 v12, v26;
	v2 =	vadd.f32 v6, v2;
	v27 =	vld [tilespmem:s20+$0x1880]  }
0xba: {  	v53 =	vmul.f32 v13, v26;
	v3 =	vadd.f32 v43, v3;
	v4 =	vadd.f32 v8, v4;
	v46 =	vld [tilespmem:s20+$0x1890]  }
0xbb: {  	v10 =	vmul.f32 v17, v48;
	v5 =	vadd.f32 v45, v5;
	v2 =	vadd.f32 v47, v2;
	v49 =	vld [tilespmem:s20+$0x18A0]  }
0xbc: {  	v48 =	vbroadcast v0, $0x8;
	v3 =	vadd.f32 v50, v3;
	v4 =	vadd.f32 v51, v4;
	v52 =	vld [tilespmem:s20+$0x18B0];
	s21 =	spop (v2sf)  }
0xbd: {  	v5 =	vadd.f32 v53, v5;
	v33 =	vmul.f32 v24, v28;
	(v2sf) =	vpush v1, $0xD;
	v36 =	vld [tilespmem:s21+$0x2480]  }
0xbe: {  	v2 =	vadd.f32 v54, v2;
	v35 =	vmul.f32 v25, v28;
	v19 =	vmul.f32 v42, v28;
	v38 =	vld [tilespmem:s21+$0x2490]  }
0xbf: {  	v3 =	vadd.f32 v56, v3;
	v7 =	vmul.f32 v44, v28;
	v42 =	vbroadcast v0, $0x7;
	v39 =	vld [tilespmem:s21+$0x24A0]  }
0xc0: {  	v4 =	vadd.f32 v60, v4;
	v62 =	vmul.f32 v18, v58;
	v26 =	vmul.f32 v20, v58;
	s22 =	spop (v2sf);
	v41 =	vld [tilespmem:s21+$0x24B0]  }
0xc1: {  	v30 =	vmul.f32 v21, v58;
	v32 =	vmul.f32 v23, v58;
	(v2sf) =	vpush v1, $0xC;
	v63 =	vld [tilespmem:s22+$0x2080]  }
0xc2: {  	v5 =	vadd.f32 v10, v5;
	v21 =	vbroadcast v0, $0xA;
	v45 =	vmul.f32 v55, v42;
	v29 =	vld [tilespmem:s22+$0x2090]  }
0xc3: {  	v47 =	vmul.f32 v57, v42;
	v50 =	vmul.f32 v59, v42;
	v2 =	vadd.f32 v62, v2;
	v31 =	vld [tilespmem:s22+$0x20A0]  }
0xc4: {  	v51 =	vmul.f32 v61, v42;
	v3 =	vadd.f32 v26, v3;
	v5 =	vadd.f32 v32, v5;
	v34 =	vld [tilespmem:s22+$0x20B0];
	s23 =	spop (v2sf)  }
0xc5: {  	v4 =	vadd.f32 v30, v4;
	v6 =	vmul.f32 v52, v37;
	(v2sf) =	vpush v1, $0xF;
	v52 =	vld [tilespmem:s23+$0x2C80]  }
0xc6: {  	v40 =	vmul.f32 v27, v37;
	v2 =	vadd.f32 v33, v2;
	v5 =	vadd.f32 v7, v5;
	v55 =	vld [tilespmem:s23+$0x2C90]  }
0xc7: {  	v9 =	vmul.f32 v46, v37;
	v3 =	vadd.f32 v35, v3;
	s24 =	spop (v2sf);
	(v2sf) =	vpush v1, $0xE;
	v58 =	vld [tilespmem:s23+$0x2CA0]  }
0xc8: {  	v57 =	vbroadcast v0, $0x9;
	v4 =	vadd.f32 v19, v4;
	v5 =	vadd.f32 v6, v5;
	v60 =	vld [tilespmem:s23+$0x2CB0]  }
0xc9: {  	v22 =	vmul.f32 v49, v37;
	v2 =	vadd.f32 v40, v2;
	v3 =	vadd.f32 v9, v3;
	v43 =	vld [tilespmem:s24+$0x2880]  }
0xca: {  	v5 =	vadd.f32 v51, v5;
	v51 =	vbroadcast v0, $0xE;
	v44 =	vld [tilespmem:s24+$0x2890];
	v61 =	vmul.f32 v36, v57  }
0xcb: {  	v4 =	vadd.f32 v22, v4;
	v46 =	vld [tilespmem:s24+$0x28A0];
	v23 =	vmul.f32 v39, v57;
	v24 =	vmul.f32 v41, v57  }
0xcc: {  	v2 =	vadd.f32 v45, v2;
	v49 =	vld [tilespmem:s24+$0x28B0];
	v36 =	vbroadcast v0, $0xC;
	v53 =	vmul.f32 v63, v48;
	s25 =	spop (v2sf)  }
0xcd: {  	v3 =	vadd.f32 v47, v3;
	v54 =	vmul.f32 v29, v48;
	v56 =	vmul.f32 v31, v48;
	v30 =	vld [tilespmem:s25+$0x3480]  }
0xce: {  	v4 =	vadd.f32 v50, v4;
	v59 =	vmul.f32 v34, v48;
	v63 =	vmul.f32 v38, v57;
	v32 =	vld [tilespmem:s25+$0x3490]  }
0xcf: {  	v29 =	vbroadcast v0, $0xB;
	v2 =	vadd.f32 v53, v2;
	v3 =	vadd.f32 v54, v3;
	v34 =	vld [tilespmem:s25+$0x34A0]  }
0xd0: {  	v4 =	vadd.f32 v56, v4;
	v1 =	vmul.f32 v43, v21;
	v26 =	vmul.f32 v44, v21;
	s26 =	spop (v2sf);
	v37 =	vld [tilespmem:s25+$0x34B0]  }
0xd1: {  	v5 =	vadd.f32 v59, v5;
	v28 =	vmul.f32 v46, v21;
	v31 =	vmul.f32 v49, v21;
	v62 =	vld [tilespmem:s26+$0x3080]  }
0xd2: {  	v33 =	vmul.f32 v52, v29;
	v35 =	vmul.f32 v55, v29;
	v2 =	vadd.f32 v61, v2;
	v22 =	vld [tilespmem:s26+$0x3090]  }
0xd3: {  	v38 =	vmul.f32 v58, v29;
	v3 =	vadd.f32 v63, v3;
	v4 =	vadd.f32 v23, v4;
	v25 =	vld [tilespmem:s26+$0x30A0]  }
0xd4: {  	v11 =	vmul.f32 v60, v29;
	v5 =	vadd.f32 v24, v5;
	v1 =	vadd.f32 v1, v2;
	v27 =	vld [tilespmem:s26+$0x30B0];
	s28 =	spop (v2sf)  }
0xd5: {  	v44 =	vbroadcast v0, $0xD;
	v3 =	vadd.f32 v26, v3;
	v4 =	vadd.f32 v28, v4;
	v49 =	vld [tilespmem:s28+$0x3C80]  }
0xd6: {  	v0 =	vbroadcast v0, $0xF;
	v2 =	vadd.f32 v31, v5;
	v1 =	vadd.f32 v33, v1;
	s29 =	spop (v2sf);
	v52 =	vld [tilespmem:s28+$0x3C90]  }
0xd7: {  	v3 =	vadd.f32 v35, v3;
	v39 =	vld [tilespmem:s29+$0x3880];
	v48 =	vmul.f32 v30, v44;
	v50 =	vmul.f32 v32, v44  }
0xd8: {  	v4 =	vadd.f32 v38, v4;
	v42 =	vld [tilespmem:s29+$0x3890];
	v53 =	vmul.f32 v34, v44;
	v40 =	vmul.f32 v62, v36  }
0xd9: {  	v2 =	vadd.f32 v11, v2;
	v45 =	vld [tilespmem:s29+$0x38A0];
	v54 =	vmul.f32 v37, v44;
	v41 =	vmul.f32 v22, v36  }
0xda: {  	v47 =	vld [tilespmem:s29+$0x38B0];
	v43 =	vmul.f32 v25, v36;
	v46 =	vmul.f32 v27, v36;
	v1 =	vadd.f32 v40, v1  }
0xdb: {  	v55 =	vld [tilespmem:s28+$0x3CA0];
	v60 =	vmul.f32 v49, v0;
	v62 =	vmul.f32 v52, v0;
	v3 =	vadd.f32 v41, v3  }
0xdc: {  	v57 =	vld [tilespmem:s28+$0x3CB0];
	v4 =	vadd.f32 v43, v4;
	v56 =	vmul.f32 v39, v51;
	v1 =	vadd.f32 v48, v1  }
0xdd: {  	v2 =	vadd.f32 v46, v2;
	v58 =	vmul.f32 v42, v51;
	v3 =	vadd.f32 v50, v3  }
0xde: {  	v59 =	vmul.f32 v45, v51;
	v4 =	vadd.f32 v53, v4;
	v1 =	vadd.f32 v56, v1  }
0xdf: {  	v61 =	vmul.f32 v47, v51;
	v2 =	vadd.f32 v54, v2;
	v3 =	vadd.f32 v58, v3  }
0xe0: {  	v63 =	vmul.f32 v55, v0;
	v4 =	vadd.f32 v59, v4;
	v1 =	vadd.f32 v60, v1  }
0xe1: {  	v0 =	vmul.f32 v57, v0;
	v2 =	vadd.f32 v61, v2;
	v3 =	vadd.f32 v62, v3  }
0xe2: {  	v4 =	vadd.f32 v63, v4;
	[tilespmem:$0x4100] =	vst v1  }
0xe3: {  	v0 =	vadd.f32 v0, v2;
	[tilespmem:$0x4110] =	vst v3  }
0xe4: {  	p0 =	sne.s32 s4, $0x1;
	s30 =	rddreg [dreg:$0x4];
	[tilespmem:$0x4120] =	vst v4  }
.Ltmp1:
0xe5: {  	s31 =	rddreg [dreg:$0x18];
	[tilespmem:$0x4130] =	vst v0;
	(pc) =	sbr.rel @p0 .LBB2_2-.Ltmp1, $4  }
0xe6: {  	[hbm4b:s30+s2] =	stream.linear.scatter [tilespmem:s31], [sflag:$0x2], $0x40, $0x38;
	[tilespmem:$0x4180] =	vst v63  }
0xe7: {  	_ =	swait.ge [sflag:s5], $0x40  }
0xe8: {  	[sflag:s5] =	ssyncset.done $0x0  }
0xe9: {  	s4 =	sadd.s32 $0xFFFFFFFF, s4;
	[sflag:s5] =	ssyncadd.s32 $0xFFFFFFC0  }
.LBB2_3:
0xea: {  	_ =	sfence.sel $0x180000  }
0xeb: {  	[bflag:$0x0] =	sbarrier.arrive $0xFFFF  }
0xec: {  	p0 =	sne.s32 s0, $0x0;
	_ =	strace $0x90000047  }
0xed: {  	s0 =	sadd.s32 @!p0 $0x100000, s1;
	[bflag:$0x2] =	sbarrier.arrive $0xFFFF  }
0xee: {  	[sflag:s0] =	ssyncadd.tile.s32 @!p0 $0x1;
	_ =	shalt  }
.Lfunc_end2:
_tile_overlayer_lowered:
.L_overlay_start_2:
0xef: {  	(tag) =	ssettag $0x2  }
0xf0: {  	s0 =	rddreg [dreg:$0x0];
	s2 =	stileid.u32  }
0xf1: {  	s1 =	rddreg [dreg:$0x1];
	p0 =	sne.s32 s2, $0x0  }
0xf2: {  	s3 =	rddreg [dreg:$0x2];
	[bflag:$0x3] =	sbarrier.arrive $0xFFFF;
	s2 =	simm.s32 @!p0 $0x1C02  }
0xf3: {  	[timem:s3], [sflag:s2] =	dma.local @!p0 [hbm:s0], s1  }
0xf4: {  	s0 =	simm.s32 @!p0 $0x2  }
0xf5: {  	_ =	swait.ge @!p0 [sflag:s0], s1  }
0xf6: {  	s1 =	ssub.s32 @!p0 $0x0, s1;
	[sflag:s0] =	ssyncset.done @!p0 $0x0  }
0xf7: {  	[sflag:s0] =	ssyncadd.s32 @!p0 s1  }
0xf8: {  	[bflag:$0x3] =	sbarrier.arrive $0xFFFF  }
0xf9: {  	_ =	shalt  }

</sc_bundles>
